<compile_context>
chip_gen: v7x
topology: tpu7x:2x2x1
jax: 0.10.2.dev20260603
libtpu: 0.0.44.dev20260713+nightly
codegen_flags: <defaults>
</compile_context>

<pallas_src>
import functools

import jax
import jax.numpy as jnp
from jax import lax
from jax.experimental import pallas as pl
from jax.experimental.pallas import tpu as pltpu
from jax.experimental.pallas import tpu_sc as plsc

_N = 10000
_E = 320000
_D = 128

_NC = 2
_NS = 16
_CHUNK = 128
_R0 = 304
_R1 = 16
_NROWS = _NS * (_R0 + _R1)
_GRP = 16
_TOT = _NROWS * _CHUNK
_PAD_ROW = _N
_DUMP = 640
_ACC_ROWS = _NS * _DUMP


def _agg_sc(h, edges3, zeros_acc):
  mesh = plsc.VectorSubcoreMesh(core_axis_name="c", subcore_axis_name="s")

  @functools.partial(
      pl.kernel,
      out_type=jax.ShapeDtypeStruct((_NC, _ACC_ROWS, _D), jnp.float32),
      mesh=mesh,
      scratch_types=[
          pltpu.VMEM((_GRP, _CHUNK), jnp.int32),
          pltpu.VMEM((_GRP, _CHUNK), jnp.int32),
          pltpu.VMEM((_CHUNK, _D), jnp.float32),
          pltpu.VMEM((_CHUNK, _D), jnp.float32),
          pltpu.SemaphoreType.DMA,
          pltpu.SemaphoreType.DMA,
          pltpu.SemaphoreType.DMA,
          pltpu.SemaphoreType.DMA,
          pltpu.VMEM_SHARED((_ACC_ROWS, _D), jnp.float32),
      ],
  )
  def k(h_hbm, e_hbm, z_hbm, out_hbm, src_v, dst_v, rows0, rows1,
        gs0, gs1, ss0, ss1, acc_sh):
    c = lax.axis_index("c")
    s = lax.axis_index("s")
    row_base = jnp.where(c == 0, s * _R0, _NS * _R0 + s * _R1)
    ngroups = jnp.where(c == 0, _R0 // _GRP, _R1 // _GRP)

    @pl.when(s == 0)
    def _():
      pltpu.sync_copy(z_hbm, acc_sh)

    plsc.subcore_barrier()

    def wait(sem, buf):
      pltpu.make_async_copy(h_hbm.at[src_v.at[0]], buf, sem).wait()

    def group(g, carry):
      pltpu.sync_copy(e_hbm.at[0].at[pl.ds(row_base + g * _GRP, _GRP)],
                      src_v)
      pltpu.sync_copy(e_hbm.at[1].at[pl.ds(row_base + g * _GRP, _GRP)],
                      dst_v)

      pltpu.async_copy(h_hbm.at[src_v.at[0]], rows0, gs0)
      pltpu.async_copy(h_hbm.at[src_v.at[1]], rows1, gs1)

      def pair(i, c2):
        j0 = 2 * i
        wait(gs0, rows0)
        pltpu.async_copy(rows0, acc_sh.at[dst_v.at[j0]], ss0, add=True)
        wait(gs1, rows1)
        pltpu.async_copy(rows1, acc_sh.at[dst_v.at[j0 + 1]], ss1, add=True)
        wait(ss0, rows0)
        pltpu.async_copy(h_hbm.at[src_v.at[j0 + 2]], rows0, gs0)
        wait(ss1, rows1)
        pltpu.async_copy(h_hbm.at[src_v.at[j0 + 3]], rows1, gs1)
        return c2

      lax.fori_loop(0, _GRP // 2 - 1, pair, 0, unroll=False)

      wait(gs0, rows0)
      pltpu.async_copy(rows0, acc_sh.at[dst_v.at[_GRP - 2]], ss0, add=True)
      wait(gs1, rows1)
      pltpu.async_copy(rows1, acc_sh.at[dst_v.at[_GRP - 1]], ss1, add=True)
      wait(ss0, rows0)
      wait(ss1, rows1)
      return carry

    lax.fori_loop(0, ngroups, group, 0, unroll=False)
    plsc.subcore_barrier()

    pltpu.sync_copy(acc_sh.at[pl.ds(s * _DUMP, _DUMP)],
                    out_hbm.at[c].at[pl.ds(s * _DUMP, _DUMP)])

  return k(h, edges3, zeros_acc)


def _matmul_t(a, w):
  return lax.dot_general(a, w, (((1,), (1,)), ((), ())),
                         preferred_element_type=jnp.float32)


def _bn_relu(h, g, b):
  m = jnp.mean(h, axis=0, keepdims=True)
  v = jnp.mean((h - m) ** 2, axis=0, keepdims=True)
  return jnp.maximum(g * (h - m) * lax.rsqrt(v + 1e-5) + b, 0.0)


def _tc_in(x, W_in, b_in, g_in, beta_in):
  def body(x_ref, w_ref, b_ref, g_ref, be_ref, o_ref):
    h = _matmul_t(x_ref[...], w_ref[...]) + b_ref[...]
    o_ref[...] = _bn_relu(h, g_ref[...], be_ref[...])

  return pl.pallas_call(
      body,
      out_shape=jax.ShapeDtypeStruct((_N, _D), jnp.float32),
  )(x, W_in, b_in, g_in, beta_in)


def _tc_gin(h, acc, eps, Wa, ba, Wb, bb, g, beta, head=None):
  def body(h_ref, acc_ref, eps_ref, wa_ref, ba_ref, wb_ref, bb_ref, g_ref,
           be_ref, *rest):
    z = ((2.0 + eps_ref[0, 0]) * h_ref[...] + acc_ref[0, :_N]
         + acc_ref[1, :_N])
    t = jnp.maximum(_matmul_t(z, wa_ref[...]) + ba_ref[...], 0.0)
    u = _matmul_t(t, wb_ref[...]) + bb_ref[...]
    o = _bn_relu(u, g_ref[...], be_ref[...])
    if head is None:
      rest[-1][...] = o
    else:
      wh_ref, bh_ref = rest[0], rest[1]
      rest[-1][...] = _matmul_t(o, wh_ref[...]) + bh_ref[...]

  args = [h, acc, eps, Wa, ba, Wb, bb, g, beta]
  if head is not None:
    args += list(head)
  return pl.pallas_call(
      body,
      out_shape=jax.ShapeDtypeStruct((_N, _D), jnp.float32),
  )(*args)


def kernel(x, edge_index, eps1, eps2, W_in, b_in, g_in, beta_in, W1a, b1a,
           W1b, b1b, g1, beta1, W2a, b2a, W2b, b2b, g2, beta2, W_head,
           b_head):
  ei = edge_index.astype(jnp.int32)
  pad = _TOT - 2 * _E
  src = jnp.concatenate([ei[0], ei[1], jnp.zeros((pad,), jnp.int32)])
  pad_dst = _PAD_ROW + (jnp.arange(pad, dtype=jnp.int32) % (_ACC_ROWS - _N))
  dst = jnp.concatenate([ei[1], ei[0], pad_dst])
  edges3 = jnp.stack([src, dst]).reshape(2, _NROWS, _CHUNK)
  zeros_acc = jnp.zeros((_ACC_ROWS, _D), jnp.float32)

  r = lambda v: v.reshape(1, _D)
  x0 = _tc_in(x, W_in, r(b_in), r(g_in), r(beta_in))
  acc1 = _agg_sc(x0, edges3, zeros_acc)
  h1 = _tc_gin(x0, acc1, eps1.reshape(1, 1), W1a, r(b1a), W1b, r(b1b),
               r(g1), r(beta1))
  acc2 = _agg_sc(h1, edges3, zeros_acc)
  return _tc_gin(h1, acc2, eps2.reshape(1, 1), W2a, r(b2a), W2b, r(b2b),
                 r(g2), r(beta2), head=(W_head, r(b_head)))

# --- scband reference (transcript-rebuilt; emitter-appended) ---
"""Pipeline reference for scband-gin-88888643158270 (READ-ONLY COPY).

The authoritative reference and input builder live on the scoring server;
editing this copy changes nothing except your own understanding.
"""

import jax, jax.numpy as jnp
import numpy as np

N = 10000
E = 320000
D = 128
H = 128
O = 128


def setup_inputs(seed: int = 0) -> dict:
    key = jax.random.key(seed)
    ks = jax.random.split(key, 24)
    s = 0.05
    inp = {
        'x': jax.random.normal(ks[0], (N, D), dtype=jnp.float32),
        'edge_index': jax.random.randint(ks[1], (2, E), 0, N, dtype=jnp.int32),
        'eps1': jnp.zeros((1,), dtype=jnp.float32),
        'eps2': jnp.zeros((1,), dtype=jnp.float32),
        'W_in': jax.random.normal(ks[2], (H, D), dtype=jnp.float32) * s,
        'b_in': jnp.zeros((H,), dtype=jnp.float32),
        'g_in': jnp.ones((H,), dtype=jnp.float32),
        'beta_in': jnp.zeros((H,), dtype=jnp.float32),
        'W1a': jax.random.normal(ks[3], (H, H), dtype=jnp.float32) * s,
        'b1a': jnp.zeros((H,), dtype=jnp.float32),
        'W1b': jax.random.normal(ks[4], (H, H), dtype=jnp.float32) * s,
        'b1b': jnp.zeros((H,), dtype=jnp.float32),
        'g1': jnp.ones((H,), dtype=jnp.float32),
        'beta1': jnp.zeros((H,), dtype=jnp.float32),
        'W2a': jax.random.normal(ks[5], (H, H), dtype=jnp.float32) * s,
        'b2a': jnp.zeros((H,), dtype=jnp.float32),
        'W2b': jax.random.normal(ks[6], (H, H), dtype=jnp.float32) * s,
        'b2b': jnp.zeros((H,), dtype=jnp.float32),
        'g2': jnp.ones((H,), dtype=jnp.float32),
        'beta2': jnp.zeros((H,), dtype=jnp.float32),
        'W_head': jax.random.normal(ks[7], (O, H), dtype=jnp.float32) * s,
        'b_head': jnp.zeros((O,), dtype=jnp.float32),
    }
    return inp


def _bn(h, g, b):
    m = h.mean(axis=0)
    v = ((h - m) ** 2).mean(axis=0)
    return g * (h - m) / jnp.sqrt(v + 1e-5) + b


def reference(x, edge_index, eps1, eps2, W_in, b_in, g_in, beta_in, W1a, b1a, W1b, b1b, g1, beta1, W2a, b2a, W2b, b2b, g2, beta2, W_head, b_head):
    # symmetrize edges
    ei = jnp.concatenate([edge_index, edge_index[::-1]], axis=1)
    loops = jnp.arange(N, dtype=ei.dtype)
    src = jnp.concatenate([ei[0], loops])
    dst = jnp.concatenate([ei[1], loops])

    def agg(h):
        return jnp.zeros_like(h).at[dst].add(h[src])

    x0 = x @ W_in.T + b_in
    x0 = jax.nn.relu(_bn(x0, g_in, beta_in))

    a1 = agg(x0)
    h1 = (1.0 + eps1) * x0 + a1
    h1 = jax.nn.relu(h1 @ W1a.T + b1a) @ W1b.T + b1b
    h1 = jax.nn.relu(_bn(h1, g1, beta1))

    a2 = agg(h1)
    h2 = (1.0 + eps2) * h1 + a2
    h2 = jax.nn.relu(h2 @ W2a.T + b2a) @ W2b.T + b2b
    h2 = jax.nn.relu(_bn(h2, g2, beta2))

    logits = h2 @ W_head.T + b_head
    return logits

if __name__ == "__main__":
    import jax
    _d = setup_inputs()
    print(jax.jit(kernel)(*tuple(_d.values())))

</pallas_src>

<mosaic_0001>
#map = affine_map<(d0, d1) -> (0, 0)>
#map1 = affine_map<(d0, d1) -> (0, 0, 0)>
module attributes {stable_mosaic.version = 14 : i64} {
  func.func @k(%arg0: i32, %arg1: i32, %arg2: memref<10000x128xf32, #tpu.memory_space<hbm>>, %arg3: memref<2x5120x128xi32, #tpu.memory_space<hbm>>, %arg4: memref<10240x128xf32, #tpu.memory_space<hbm>>, %arg5: memref<2x10240x128xf32, #tpu.memory_space<hbm>>, %arg6: memref<16x128xi32, #tpu.memory_space<vmem>>, %arg7: memref<16x128xi32, #tpu.memory_space<vmem>>, %arg8: memref<128x128xf32, #tpu.memory_space<vmem>>, %arg9: memref<128x128xf32, #tpu.memory_space<vmem>>, %arg10: memref<!tpu.dma_semaphore, #tpu.memory_space<semaphore_mem>>, %arg11: memref<!tpu.dma_semaphore, #tpu.memory_space<semaphore_mem>>, %arg12: memref<!tpu.dma_semaphore, #tpu.memory_space<semaphore_mem>>, %arg13: memref<!tpu.dma_semaphore, #tpu.memory_space<semaphore_mem>>, %arg14: memref<10240x128xf32, #tpu.memory_space<vmem_shared>>) attributes {dimension_semantics = [#tpu.dimension_semantics<core_parallel>, #tpu.dimension_semantics<subcore_parallel>], iteration_bounds = array<i64: 2, 16>, scalar_prefetch = 0 : i64, scratch_operands = 9 : i64, tpu.core_type = #tpu.core_type<sc_vector_subcore>, window_params = [{transform_indices = #map}, {transform_indices = #map1}, {transform_indices = #map}, {transform_indices = #map1}]} {
    %eq3A = arith.constant 0 : i32
    %eq3A_0 = arith.cmpi eq, %arg0, %eq3A : i32
    %mul3A = arith.constant 304 : i32
    %mul3A_1 = arith.muli %arg1, %mul3A : i32
    %mul3A_2 = arith.constant 16 : i32
    %mul3A_3 = arith.muli %arg1, %mul3A_2 : i32
    %add3A = arith.constant 4864 : i32
    %add3A_4 = arith.addi %add3A, %mul3A_3 : i32
    %select_n3A = arith.select %eq3A_0, %mul3A_1, %add3A_4 : i32
    %eq3A_5 = arith.constant 0 : i32
    %eq3A_6 = arith.cmpi eq, %arg0, %eq3A_5 : i32
    %jit3A = arith.constant 19 : i32
    %jit3A_7 = arith.constant 1 : i32
    %select_n3A_8 = arith.select %eq3A_6, %jit3A, %jit3A_7 : i32
    %eq3A_9 = arith.constant 0 : i32
    %eq3A_10 = arith.cmpi eq, %arg1, %eq3A_9 : i32
    %convert_element_type3A = arith.extui %eq3A_10 : i1 to i32
    %cond3A = arith.constant 0 : i32
    %cond3A_11 = arith.cmpi ne, %convert_element_type3A, %cond3A : i32
    scf.if %cond3A_11 {
      "tpu.region"() ({
        %run_scoped3A = tpu.sem_alloc : memref<!tpu.dma_semaphore, #tpu.memory_space<semaphore_mem>>
        tpu.enqueue_dma source(%arg4 : memref<10240x128xf32, #tpu.memory_space<hbm>>) target(%arg14 : memref<10240x128xf32, #tpu.memory_space<vmem_shared>>) target_semaphore(%run_scoped3A : memref<!tpu.dma_semaphore, #tpu.memory_space<semaphore_mem>>)
        tpu.wait_dma2 semaphore(%run_scoped3A : memref<!tpu.dma_semaphore, #tpu.memory_space<semaphore_mem>>) src(%arg4 : memref<10240x128xf32, #tpu.memory_space<hbm>>) dst(%arg14 : memref<10240x128xf32, #tpu.memory_space<vmem_shared>>)
        tpu.yield
      }) : () -> ()
    } else {
    }
    %barrier3A = arith.constant 0 : index
    tpu.barrier barrier_id(%barrier3A)
    %while3A = arith.constant 0 : i32
    %while3A_12 = arith.constant 0 : i32
    %while3A_13 = arith.subi %select_n3A_8, %while3A_12 : i32
    %while3A_14 = arith.addi %while3A_12, %while3A_13 : i32
    %while3A_15 = arith.constant 1 : i32
    %while3A_16 = arith.divsi %while3A_13, %while3A_15 : i32
    %while3A_17 = arith.muli %while3A_16, %while3A_15 : i32
    %while3A_18 = arith.addi %while3A_12, %while3A_17 : i32
    %while3A_19 = arith.constant 1 : i32
    scf.for %while3A_26 = %while3A_12 to %while3A_18 step %while3A_19  : i32 {
      %mul3A_27 = arith.constant 16 : i32
      %mul3A_28 = arith.muli %while3A_26, %mul3A_27 : i32
      %add3A_29 = arith.addi %select_n3A, %mul3A_28 : i32
      %run_scoped3A = arith.constant 0 : i32
      "tpu.region"() ({
        %run_scoped3A_93 = tpu.sem_alloc : memref<!tpu.dma_semaphore, #tpu.memory_space<semaphore_mem>>
        %dma_start3A_94 = arith.constant 0 : i32
        %dma_start3A_95 = arith.constant 0 : i32
        %dma_start3A_96 = tpu.memref_slice %arg3[%run_scoped3A, %dma_start3A_94, %dma_start3A_95] : memref<2x5120x128xi32, #tpu.memory_space<hbm>> -> memref<1x5120x128xi32, #tpu.memory_space<hbm>>
        %dma_start3A_97 = tpu.memref_squeeze %dma_start3A_96 : memref<1x5120x128xi32, #tpu.memory_space<hbm>> -> memref<5120x128xi32, #tpu.memory_space<hbm>>
        %dma_start3A_98 = arith.constant 0 : i32
        %dma_start3A_99 = tpu.memref_slice %dma_start3A_97[%add3A_29, %dma_start3A_98] : memref<5120x128xi32, #tpu.memory_space<hbm>> -> memref<16x128xi32, #tpu.memory_space<hbm>>
        %dma_start3A_100 = arith.constant 0 : i32
        %dma_start3A_101 = arith.constant 0 : i32
        %dma_start3A_102 = tpu.memref_slice %arg3[%run_scoped3A, %dma_start3A_100, %dma_start3A_101] : memref<2x5120x128xi32, #tpu.memory_space<hbm>> -> memref<1x5120x128xi32, #tpu.memory_space<hbm>>
        %dma_start3A_103 = tpu.memref_squeeze %dma_start3A_102 : memref<1x5120x128xi32, #tpu.memory_space<hbm>> -> memref<5120x128xi32, #tpu.memory_space<hbm>>
        %dma_start3A_104 = arith.constant 0 : i32
        %dma_start3A_105 = tpu.memref_slice %dma_start3A_103[%add3A_29, %dma_start3A_104] : memref<5120x128xi32, #tpu.memory_space<hbm>> -> memref<16x128xi32, #tpu.memory_space<hbm>>
        tpu.enqueue_dma source(%dma_start3A_105 : memref<16x128xi32, #tpu.memory_space<hbm>>) target(%arg6 : memref<16x128xi32, #tpu.memory_space<vmem>>) target_semaphore(%run_scoped3A_93 : memref<!tpu.dma_semaphore, #tpu.memory_space<semaphore_mem>>)
        %dma_wait3A_106 = arith.constant 0 : i32
        %dma_wait3A_107 = arith.constant 0 : i32
        %dma_wait3A_108 = tpu.memref_slice %arg3[%run_scoped3A, %dma_wait3A_106, %dma_wait3A_107] : memref<2x5120x128xi32, #tpu.memory_space<hbm>> -> memref<1x5120x128xi32, #tpu.memory_space<hbm>>
        %dma_wait3A_109 = tpu.memref_squeeze %dma_wait3A_108 : memref<1x5120x128xi32, #tpu.memory_space<hbm>> -> memref<5120x128xi32, #tpu.memory_space<hbm>>
        %dma_wait3A_110 = arith.constant 0 : i32
        %dma_wait3A_111 = tpu.memref_slice %dma_wait3A_109[%add3A_29, %dma_wait3A_110] : memref<5120x128xi32, #tpu.memory_space<hbm>> -> memref<16x128xi32, #tpu.memory_space<hbm>>
        %dma_wait3A_112 = arith.constant 0 : i32
        %dma_wait3A_113 = arith.constant 0 : i32
        %dma_wait3A_114 = tpu.memref_slice %arg3[%run_scoped3A, %dma_wait3A_112, %dma_wait3A_113] : memref<2x5120x128xi32, #tpu.memory_space<hbm>> -> memref<1x5120x128xi32, #tpu.memory_space<hbm>>
        %dma_wait3A_115 = tpu.memref_squeeze %dma_wait3A_114 : memref<1x5120x128xi32, #tpu.memory_space<hbm>> -> memref<5120x128xi32, #tpu.memory_space<hbm>>
        %dma_wait3A_116 = arith.constant 0 : i32
        %dma_wait3A_117 = tpu.memref_slice %dma_wait3A_115[%add3A_29, %dma_wait3A_116] : memref<5120x128xi32, #tpu.memory_space<hbm>> -> memref<16x128xi32, #tpu.memory_space<hbm>>
        tpu.wait_dma2 semaphore(%run_scoped3A_93 : memref<!tpu.dma_semaphore, #tpu.memory_space<semaphore_mem>>) src(%dma_wait3A_117 : memref<16x128xi32, #tpu.memory_space<hbm>>) dst(%arg6 : memref<16x128xi32, #tpu.memory_space<vmem>>)
        tpu.yield
      }) : () -> ()
      %mul3A_30 = arith.constant 16 : i32
      %mul3A_31 = arith.muli %while3A_26, %mul3A_30 : i32
      %add3A_32 = arith.addi %select_n3A, %mul3A_31 : i32
      %run_scoped3A_33 = arith.constant 1 : i32
      "tpu.region"() ({
        %run_scoped3A_93 = tpu.sem_alloc : memref<!tpu.dma_semaphore, #tpu.memory_space<semaphore_mem>>
        %dma_start3A_94 = arith.constant 0 : i32
        %dma_start3A_95 = arith.constant 0 : i32
        %dma_start3A_96 = tpu.memref_slice %arg3[%run_scoped3A_33, %dma_start3A_94, %dma_start3A_95] : memref<2x5120x128xi32, #tpu.memory_space<hbm>> -> memref<1x5120x128xi32, #tpu.memory_space<hbm>>
        %dma_start3A_97 = tpu.memref_squeeze %dma_start3A_96 : memref<1x5120x128xi32, #tpu.memory_space<hbm>> -> memref<5120x128xi32, #tpu.memory_space<hbm>>
        %dma_start3A_98 = arith.constant 0 : i32
        %dma_start3A_99 = tpu.memref_slice %dma_start3A_97[%add3A_32, %dma_start3A_98] : memref<5120x128xi32, #tpu.memory_space<hbm>> -> memref<16x128xi32, #tpu.memory_space<hbm>>
        %dma_start3A_100 = arith.constant 0 : i32
        %dma_start3A_101 = arith.constant 0 : i32
        %dma_start3A_102 = tpu.memref_slice %arg3[%run_scoped3A_33, %dma_start3A_100, %dma_start3A_101] : memref<2x5120x128xi32, #tpu.memory_space<hbm>> -> memref<1x5120x128xi32, #tpu.memory_space<hbm>>
        %dma_start3A_103 = tpu.memref_squeeze %dma_start3A_102 : memref<1x5120x128xi32, #tpu.memory_space<hbm>> -> memref<5120x128xi32, #tpu.memory_space<hbm>>
        %dma_start3A_104 = arith.constant 0 : i32
        %dma_start3A_105 = tpu.memref_slice %dma_start3A_103[%add3A_32, %dma_start3A_104] : memref<5120x128xi32, #tpu.memory_space<hbm>> -> memref<16x128xi32, #tpu.memory_space<hbm>>
        tpu.enqueue_dma source(%dma_start3A_105 : memref<16x128xi32, #tpu.memory_space<hbm>>) target(%arg7 : memref<16x128xi32, #tpu.memory_space<vmem>>) target_semaphore(%run_scoped3A_93 : memref<!tpu.dma_semaphore, #tpu.memory_space<semaphore_mem>>)
        %dma_wait3A_106 = arith.constant 0 : i32
        %dma_wait3A_107 = arith.constant 0 : i32
        %dma_wait3A_108 = tpu.memref_slice %arg3[%run_scoped3A_33, %dma_wait3A_106, %dma_wait3A_107] : memref<2x5120x128xi32, #tpu.memory_space<hbm>> -> memref<1x5120x128xi32, #tpu.memory_space<hbm>>
        %dma_wait3A_109 = tpu.memref_squeeze %dma_wait3A_108 : memref<1x5120x128xi32, #tpu.memory_space<hbm>> -> memref<5120x128xi32, #tpu.memory_space<hbm>>
        %dma_wait3A_110 = arith.constant 0 : i32
        %dma_wait3A_111 = tpu.memref_slice %dma_wait3A_109[%add3A_32, %dma_wait3A_110] : memref<5120x128xi32, #tpu.memory_space<hbm>> -> memref<16x128xi32, #tpu.memory_space<hbm>>
        %dma_wait3A_112 = arith.constant 0 : i32
        %dma_wait3A_113 = arith.constant 0 : i32
        %dma_wait3A_114 = tpu.memref_slice %arg3[%run_scoped3A_33, %dma_wait3A_112, %dma_wait3A_113] : memref<2x5120x128xi32, #tpu.memory_space<hbm>> -> memref<1x5120x128xi32, #tpu.memory_space<hbm>>
        %dma_wait3A_115 = tpu.memref_squeeze %dma_wait3A_114 : memref<1x5120x128xi32, #tpu.memory_space<hbm>> -> memref<5120x128xi32, #tpu.memory_space<hbm>>
        %dma_wait3A_116 = arith.constant 0 : i32
        %dma_wait3A_117 = tpu.memref_slice %dma_wait3A_115[%add3A_32, %dma_wait3A_116] : memref<5120x128xi32, #tpu.memory_space<hbm>> -> memref<16x128xi32, #tpu.memory_space<hbm>>
        tpu.wait_dma2 semaphore(%run_scoped3A_93 : memref<!tpu.dma_semaphore, #tpu.memory_space<semaphore_mem>>) src(%dma_wait3A_117 : memref<16x128xi32, #tpu.memory_space<hbm>>) dst(%arg7 : memref<16x128xi32, #tpu.memory_space<vmem>>)
        tpu.yield
      }) : () -> ()
      %dma_start3A = arith.constant 0 : i32
      %dma_start3A_34 = arith.constant 0 : i32
      %dma_start3A_35 = tpu.memref_slice %arg6[%dma_start3A, %dma_start3A_34] : memref<16x128xi32, #tpu.memory_space<vmem>> -> memref<1x128xi32, #tpu.memory_space<vmem>>
      %dma_start3A_36 = tpu.memref_squeeze %dma_start3A_35 : memref<1x128xi32, #tpu.memory_space<vmem>> -> memref<128xi32, #tpu.memory_space<vmem>>
      %dma_start3A_37 = arith.constant 0 : i32
      %dma_start3A_38 = arith.constant 0 : i32
      %dma_start3A_39 = tpu.memref_slice %arg2[%dma_start3A_37, %dma_start3A_38] : memref<10000x128xf32, #tpu.memory_space<hbm>> -> memref<10000x128xf32, #tpu.memory_space<hbm>>
      tpu.enqueue_indirect_dma source(%dma_start3A_39 : memref<10000x128xf32, #tpu.memory_space<hbm>>) target(%arg8 : memref<128x128xf32, #tpu.memory_space<vmem>>) offsets(%dma_start3A_36 : memref<128xi32, #tpu.memory_space<vmem>>) semaphore(%arg10 : memref<!tpu.dma_semaphore, #tpu.memory_space<semaphore_mem>>)
      %dma_start3A_40 = arith.constant 1 : i32
      %dma_start3A_41 = arith.constant 0 : i32
      %dma_start3A_42 = tpu.memref_slice %arg6[%dma_start3A_40, %dma_start3A_41] : memref<16x128xi32, #tpu.memory_space<vmem>> -> memref<1x128xi32, #tpu.memory_space<vmem>>
      %dma_start3A_43 = tpu.memref_squeeze %dma_start3A_42 : memref<1x128xi32, #tpu.memory_space<vmem>> -> memref<128xi32, #tpu.memory_space<vmem>>
      %dma_start3A_44 = arith.constant 0 : i32
      %dma_start3A_45 = arith.constant 0 : i32
      %dma_start3A_46 = tpu.memref_slice %arg2[%dma_start3A_44, %dma_start3A_45] : memref<10000x128xf32, #tpu.memory_space<hbm>> -> memref<10000x128xf32, #tpu.memory_space<hbm>>
      tpu.enqueue_indirect_dma source(%dma_start3A_46 : memref<10000x128xf32, #tpu.memory_space<hbm>>) target(%arg9 : memref<128x128xf32, #tpu.memory_space<vmem>>) offsets(%dma_start3A_43 : memref<128xi32, #tpu.memory_space<vmem>>) semaphore(%arg11 : memref<!tpu.dma_semaphore, #tpu.memory_space<semaphore_mem>>)
      %scan3A = arith.constant 0 : i32
      %scan3A_47 = arith.constant 0 : i32
      %scan3A_48 = arith.constant 7 : i32
      %scan3A_49 = arith.addi %scan3A_47, %scan3A_48 : i32
      %scan3A_50 = arith.constant 1 : i32
      scf.for %scan3A_93 = %scan3A_47 to %scan3A_49 step %scan3A_50  : i32 {
        %mul3A_94 = arith.constant 2 : i32
        %mul3A_95 = arith.muli %mul3A_94, %scan3A_93 : i32
        %dma_wait3A_96 = arith.constant 0 : i32
        %dma_wait3A_97 = arith.constant 0 : i32
        %dma_wait3A_98 = tpu.memref_slice %arg6[%dma_wait3A_96, %dma_wait3A_97] : memref<16x128xi32, #tpu.memory_space<vmem>> -> memref<1x128xi32, #tpu.memory_space<vmem>>
        %dma_wait3A_99 = tpu.memref_squeeze %dma_wait3A_98 : memref<1x128xi32, #tpu.memory_space<vmem>> -> memref<128xi32, #tpu.memory_space<vmem>>
        %dma_wait3A_100 = arith.constant 0 : i32
        %dma_wait3A_101 = arith.constant 0 : i32
        %dma_wait3A_102 = tpu.memref_slice %arg2[%dma_wait3A_100, %dma_wait3A_101] : memref<10000x128xf32, #tpu.memory_space<hbm>> -> memref<10000x128xf32, #tpu.memory_space<hbm>>
        tpu.wait_indirect_dma semaphore(%arg10 : memref<!tpu.dma_semaphore, #tpu.memory_space<semaphore_mem>>) src(%dma_wait3A_102 : memref<10000x128xf32, #tpu.memory_space<hbm>>) dst(%arg8 : memref<128x128xf32, #tpu.memory_space<vmem>>)
        %dma_start3A_103 = arith.constant 0 : i32
        %dma_start3A_104 = tpu.memref_slice %arg7[%mul3A_95, %dma_start3A_103] : memref<16x128xi32, #tpu.memory_space<vmem>> -> memref<1x128xi32, #tpu.memory_space<vmem>>
        %dma_start3A_105 = tpu.memref_squeeze %dma_start3A_104 : memref<1x128xi32, #tpu.memory_space<vmem>> -> memref<128xi32, #tpu.memory_space<vmem>>
        %dma_start3A_106 = arith.constant 0 : i32
        %dma_start3A_107 = arith.constant 0 : i32
        %dma_start3A_108 = tpu.memref_slice %arg14[%dma_start3A_106, %dma_start3A_107] : memref<10240x128xf32, #tpu.memory_space<vmem_shared>> -> memref<10240x128xf32, #tpu.memory_space<vmem_shared>>
        tpu.enqueue_indirect_dma source(%arg8 : memref<128x128xf32, #tpu.memory_space<vmem>>) target(%dma_start3A_108 : memref<10240x128xf32, #tpu.memory_space<vmem_shared>>) offsets(%dma_start3A_105 : memref<128xi32, #tpu.memory_space<vmem>>) semaphore(%arg12 : memref<!tpu.dma_semaphore, #tpu.memory_space<semaphore_mem>>) {add = true}
        %dma_wait3A_109 = arith.constant 0 : i32
        %dma_wait3A_110 = arith.constant 0 : i32
        %dma_wait3A_111 = tpu.memref_slice %arg6[%dma_wait3A_109, %dma_wait3A_110] : memref<16x128xi32, #tpu.memory_space<vmem>> -> memref<1x128xi32, #tpu.memory_space<vmem>>
        %dma_wait3A_112 = tpu.memref_squeeze %dma_wait3A_111 : memref<1x128xi32, #tpu.memory_space<vmem>> -> memref<128xi32, #tpu.memory_space<vmem>>
        %dma_wait3A_113 = arith.constant 0 : i32
        %dma_wait3A_114 = arith.constant 0 : i32
        %dma_wait3A_115 = tpu.memref_slice %arg2[%dma_wait3A_113, %dma_wait3A_114] : memref<10000x128xf32, #tpu.memory_space<hbm>> -> memref<10000x128xf32, #tpu.memory_space<hbm>>
        tpu.wait_indirect_dma semaphore(%arg11 : memref<!tpu.dma_semaphore, #tpu.memory_space<semaphore_mem>>) src(%dma_wait3A_115 : memref<10000x128xf32, #tpu.memory_space<hbm>>) dst(%arg9 : memref<128x128xf32, #tpu.memory_space<vmem>>)
        %add3A_116 = arith.constant 1 : i32
        %add3A_117 = arith.addi %mul3A_95, %add3A_116 : i32
        %dma_start3A_118 = arith.constant 0 : i32
        %dma_start3A_119 = tpu.memref_slice %arg7[%add3A_117, %dma_start3A_118] : memref<16x128xi32, #tpu.memory_space<vmem>> -> memref<1x128xi32, #tpu.memory_space<vmem>>
        %dma_start3A_120 = tpu.memref_squeeze %dma_start3A_119 : memref<1x128xi32, #tpu.memory_space<vmem>> -> memref<128xi32, #tpu.memory_space<vmem>>
        %dma_start3A_121 = arith.constant 0 : i32
        %dma_start3A_122 = arith.constant 0 : i32
        %dma_start3A_123 = tpu.memref_slice %arg14[%dma_start3A_121, %dma_start3A_122] : memref<10240x128xf32, #tpu.memory_space<vmem_shared>> -> memref<10240x128xf32, #tpu.memory_space<vmem_shared>>
        tpu.enqueue_indirect_dma source(%arg9 : memref<128x128xf32, #tpu.memory_space<vmem>>) target(%dma_start3A_123 : memref<10240x128xf32, #tpu.memory_space<vmem_shared>>) offsets(%dma_start3A_120 : memref<128xi32, #tpu.memory_space<vmem>>) semaphore(%arg13 : memref<!tpu.dma_semaphore, #tpu.memory_space<semaphore_mem>>) {add = true}
        %dma_wait3A_124 = arith.constant 0 : i32
        %dma_wait3A_125 = arith.constant 0 : i32
        %dma_wait3A_126 = tpu.memref_slice %arg6[%dma_wait3A_124, %dma_wait3A_125] : memref<16x128xi32, #tpu.memory_space<vmem>> -> memref<1x128xi32, #tpu.memory_space<vmem>>
        %dma_wait3A_127 = tpu.memref_squeeze %dma_wait3A_126 : memref<1x128xi32, #tpu.memory_space<vmem>> -> memref<128xi32, #tpu.memory_space<vmem>>
        %dma_wait3A_128 = arith.constant 0 : i32
        %dma_wait3A_129 = arith.constant 0 : i32
        %dma_wait3A_130 = tpu.memref_slice %arg2[%dma_wait3A_128, %dma_wait3A_129] : memref<10000x128xf32, #tpu.memory_space<hbm>> -> memref<10000x128xf32, #tpu.memory_space<hbm>>
        tpu.wait_indirect_dma semaphore(%arg12 : memref<!tpu.dma_semaphore, #tpu.memory_space<semaphore_mem>>) src(%dma_wait3A_130 : memref<10000x128xf32, #tpu.memory_space<hbm>>) dst(%arg8 : memref<128x128xf32, #tpu.memory_space<vmem>>)
        %add3A_131 = arith.constant 2 : i32
        %add3A_132 = arith.addi %mul3A_95, %add3A_131 : i32
        %dma_start3A_133 = arith.constant 0 : i32
        %dma_start3A_134 = tpu.memref_slice %arg6[%add3A_132, %dma_start3A_133] : memref<16x128xi32, #tpu.memory_space<vmem>> -> memref<1x128xi32, #tpu.memory_space<vmem>>
        %dma_start3A_135 = tpu.memref_squeeze %dma_start3A_134 : memref<1x128xi32, #tpu.memory_space<vmem>> -> memref<128xi32, #tpu.memory_space<vmem>>
        %dma_start3A_136 = arith.constant 0 : i32
        %dma_start3A_137 = arith.constant 0 : i32
        %dma_start3A_138 = tpu.memref_slice %arg2[%dma_start3A_136, %dma_start3A_137] : memref<10000x128xf32, #tpu.memory_space<hbm>> -> memref<10000x128xf32, #tpu.memory_space<hbm>>
        tpu.enqueue_indirect_dma source(%dma_start3A_138 : memref<10000x128xf32, #tpu.memory_space<hbm>>) target(%arg8 : memref<128x128xf32, #tpu.memory_space<vmem>>) offsets(%dma_start3A_135 : memref<128xi32, #tpu.memory_space<vmem>>) semaphore(%arg10 : memref<!tpu.dma_semaphore, #tpu.memory_space<semaphore_mem>>)
        %dma_wait3A_139 = arith.constant 0 : i32
        %dma_wait3A_140 = arith.constant 0 : i32
        %dma_wait3A_141 = tpu.memref_slice %arg6[%dma_wait3A_139, %dma_wait3A_140] : memref<16x128xi32, #tpu.memory_space<vmem>> -> memref<1x128xi32, #tpu.memory_space<vmem>>
        %dma_wait3A_142 = tpu.memref_squeeze %dma_wait3A_141 : memref<1x128xi32, #tpu.memory_space<vmem>> -> memref<128xi32, #tpu.memory_space<vmem>>
        %dma_wait3A_143 = arith.constant 0 : i32
        %dma_wait3A_144 = arith.constant 0 : i32
        %dma_wait3A_145 = tpu.memref_slice %arg2[%dma_wait3A_143, %dma_wait3A_144] : memref<10000x128xf32, #tpu.memory_space<hbm>> -> memref<10000x128xf32, #tpu.memory_space<hbm>>
        tpu.wait_indirect_dma semaphore(%arg13 : memref<!tpu.dma_semaphore, #tpu.memory_space<semaphore_mem>>) src(%dma_wait3A_145 : memref<10000x128xf32, #tpu.memory_space<hbm>>) dst(%arg9 : memref<128x128xf32, #tpu.memory_space<vmem>>)
        %add3A_146 = arith.constant 3 : i32
        %add3A_147 = arith.addi %mul3A_95, %add3A_146 : i32
        %dma_start3A_148 = arith.constant 0 : i32
        %dma_start3A_149 = tpu.memref_slice %arg6[%add3A_147, %dma_start3A_148] : memref<16x128xi32, #tpu.memory_space<vmem>> -> memref<1x128xi32, #tpu.memory_space<vmem>>
        %dma_start3A_150 = tpu.memref_squeeze %dma_start3A_149 : memref<1x128xi32, #tpu.memory_space<vmem>> -> memref<128xi32, #tpu.memory_space<vmem>>
        %dma_start3A_151 = arith.constant 0 : i32
        %dma_start3A_152 = arith.constant 0 : i32
        %dma_start3A_153 = tpu.memref_slice %arg2[%dma_start3A_151, %dma_start3A_152] : memref<10000x128xf32, #tpu.memory_space<hbm>> -> memref<10000x128xf32, #tpu.memory_space<hbm>>
        tpu.enqueue_indirect_dma source(%dma_start3A_153 : memref<10000x128xf32, #tpu.memory_space<hbm>>) target(%arg9 : memref<128x128xf32, #tpu.memory_space<vmem>>) offsets(%dma_start3A_150 : memref<128xi32, #tpu.memory_space<vmem>>) semaphore(%arg11 : memref<!tpu.dma_semaphore, #tpu.memory_space<semaphore_mem>>)
      }
      %scan3A_51 = arith.constant 7 : i32
      %dma_wait3A = arith.constant 0 : i32
      %dma_wait3A_52 = arith.constant 0 : i32
      %dma_wait3A_53 = tpu.memref_slice %arg6[%dma_wait3A, %dma_wait3A_52] : memref<16x128xi32, #tpu.memory_space<vmem>> -> memref<1x128xi32, #tpu.memory_space<vmem>>
      %dma_wait3A_54 = tpu.memref_squeeze %dma_wait3A_53 : memref<1x128xi32, #tpu.memory_space<vmem>> -> memref<128xi32, #tpu.memory_space<vmem>>
      %dma_wait3A_55 = arith.constant 0 : i32
      %dma_wait3A_56 = arith.constant 0 : i32
      %dma_wait3A_57 = tpu.memref_slice %arg2[%dma_wait3A_55, %dma_wait3A_56] : memref<10000x128xf32, #tpu.memory_space<hbm>> -> memref<10000x128xf32, #tpu.memory_space<hbm>>
      tpu.wait_indirect_dma semaphore(%arg10 : memref<!tpu.dma_semaphore, #tpu.memory_space<semaphore_mem>>) src(%dma_wait3A_57 : memref<10000x128xf32, #tpu.memory_space<hbm>>) dst(%arg8 : memref<128x128xf32, #tpu.memory_space<vmem>>)
      %dma_start3A_58 = arith.constant 14 : i32
      %dma_start3A_59 = arith.constant 0 : i32
      %dma_start3A_60 = tpu.memref_slice %arg7[%dma_start3A_58, %dma_start3A_59] : memref<16x128xi32, #tpu.memory_space<vmem>> -> memref<1x128xi32, #tpu.memory_space<vmem>>
      %dma_start3A_61 = tpu.memref_squeeze %dma_start3A_60 : memref<1x128xi32, #tpu.memory_space<vmem>> -> memref<128xi32, #tpu.memory_space<vmem>>
      %dma_start3A_62 = arith.constant 0 : i32
      %dma_start3A_63 = arith.constant 0 : i32
      %dma_start3A_64 = tpu.memref_slice %arg14[%dma_start3A_62, %dma_start3A_63] : memref<10240x128xf32, #tpu.memory_space<vmem_shared>> -> memref<10240x128xf32, #tpu.memory_space<vmem_shared>>
      tpu.enqueue_indirect_dma source(%arg8 : memref<128x128xf32, #tpu.memory_space<vmem>>) target(%dma_start3A_64 : memref<10240x128xf32, #tpu.memory_space<vmem_shared>>) offsets(%dma_start3A_61 : memref<128xi32, #tpu.memory_space<vmem>>) semaphore(%arg12 : memref<!tpu.dma_semaphore, #tpu.memory_space<semaphore_mem>>) {add = true}
      %dma_wait3A_65 = arith.constant 0 : i32
      %dma_wait3A_66 = arith.constant 0 : i32
      %dma_wait3A_67 = tpu.memref_slice %arg6[%dma_wait3A_65, %dma_wait3A_66] : memref<16x128xi32, #tpu.memory_space<vmem>> -> memref<1x128xi32, #tpu.memory_space<vmem>>
      %dma_wait3A_68 = tpu.memref_squeeze %dma_wait3A_67 : memref<1x128xi32, #tpu.memory_space<vmem>> -> memref<128xi32, #tpu.memory_space<vmem>>
      %dma_wait3A_69 = arith.constant 0 : i32
      %dma_wait3A_70 = arith.constant 0 : i32
      %dma_wait3A_71 = tpu.memref_slice %arg2[%dma_wait3A_69, %dma_wait3A_70] : memref<10000x128xf32, #tpu.memory_space<hbm>> -> memref<10000x128xf32, #tpu.memory_space<hbm>>
      tpu.wait_indirect_dma semaphore(%arg11 : memref<!tpu.dma_semaphore, #tpu.memory_space<semaphore_mem>>) src(%dma_wait3A_71 : memref<10000x128xf32, #tpu.memory_space<hbm>>) dst(%arg9 : memref<128x128xf32, #tpu.memory_space<vmem>>)
      %dma_start3A_72 = arith.constant 15 : i32
      %dma_start3A_73 = arith.constant 0 : i32
      %dma_start3A_74 = tpu.memref_slice %arg7[%dma_start3A_72, %dma_start3A_73] : memref<16x128xi32, #tpu.memory_space<vmem>> -> memref<1x128xi32, #tpu.memory_space<vmem>>
      %dma_start3A_75 = tpu.memref_squeeze %dma_start3A_74 : memref<1x128xi32, #tpu.memory_space<vmem>> -> memref<128xi32, #tpu.memory_space<vmem>>
      %dma_start3A_76 = arith.constant 0 : i32
      %dma_start3A_77 = arith.constant 0 : i32
      %dma_start3A_78 = tpu.memref_slice %arg14[%dma_start3A_76, %dma_start3A_77] : memref<10240x128xf32, #tpu.memory_space<vmem_shared>> -> memref<10240x128xf32, #tpu.memory_space<vmem_shared>>
      tpu.enqueue_indirect_dma source(%arg9 : memref<128x128xf32, #tpu.memory_space<vmem>>) target(%dma_start3A_78 : memref<10240x128xf32, #tpu.memory_space<vmem_shared>>) offsets(%dma_start3A_75 : memref<128xi32, #tpu.memory_space<vmem>>) semaphore(%arg13 : memref<!tpu.dma_semaphore, #tpu.memory_space<semaphore_mem>>) {add = true}
      %dma_wait3A_79 = arith.constant 0 : i32
      %dma_wait3A_80 = arith.constant 0 : i32
      %dma_wait3A_81 = tpu.memref_slice %arg6[%dma_wait3A_79, %dma_wait3A_80] : memref<16x128xi32, #tpu.memory_space<vmem>> -> memref<1x128xi32, #tpu.memory_space<vmem>>
      %dma_wait3A_82 = tpu.memref_squeeze %dma_wait3A_81 : memref<1x128xi32, #tpu.memory_space<vmem>> -> memref<128xi32, #tpu.memory_space<vmem>>
      %dma_wait3A_83 = arith.constant 0 : i32
      %dma_wait3A_84 = arith.constant 0 : i32
      %dma_wait3A_85 = tpu.memref_slice %arg2[%dma_wait3A_83, %dma_wait3A_84] : memref<10000x128xf32, #tpu.memory_space<hbm>> -> memref<10000x128xf32, #tpu.memory_space<hbm>>
      tpu.wait_indirect_dma semaphore(%arg12 : memref<!tpu.dma_semaphore, #tpu.memory_space<semaphore_mem>>) src(%dma_wait3A_85 : memref<10000x128xf32, #tpu.memory_space<hbm>>) dst(%arg8 : memref<128x128xf32, #tpu.memory_space<vmem>>)
      %dma_wait3A_86 = arith.constant 0 : i32
      %dma_wait3A_87 = arith.constant 0 : i32
      %dma_wait3A_88 = tpu.memref_slice %arg6[%dma_wait3A_86, %dma_wait3A_87] : memref<16x128xi32, #tpu.memory_space<vmem>> -> memref<1x128xi32, #tpu.memory_space<vmem>>
      %dma_wait3A_89 = tpu.memref_squeeze %dma_wait3A_88 : memref<1x128xi32, #tpu.memory_space<vmem>> -> memref<128xi32, #tpu.memory_space<vmem>>
      %dma_wait3A_90 = arith.constant 0 : i32
      %dma_wait3A_91 = arith.constant 0 : i32
      %dma_wait3A_92 = tpu.memref_slice %arg2[%dma_wait3A_90, %dma_wait3A_91] : memref<10000x128xf32, #tpu.memory_space<hbm>> -> memref<10000x128xf32, #tpu.memory_space<hbm>>
      tpu.wait_indirect_dma semaphore(%arg13 : memref<!tpu.dma_semaphore, #tpu.memory_space<semaphore_mem>>) src(%dma_wait3A_92 : memref<10000x128xf32, #tpu.memory_space<hbm>>) dst(%arg9 : memref<128x128xf32, #tpu.memory_space<vmem>>)
    }
    %while3A_20 = arith.constant 1 : i32
    scf.for %while3A_26 = %while3A_18 to %while3A_14 step %while3A_20  : i32 {
      %mul3A_27 = arith.constant 16 : i32
      %mul3A_28 = arith.muli %while3A_26, %mul3A_27 : i32
      %add3A_29 = arith.addi %select_n3A, %mul3A_28 : i32
      %run_scoped3A = arith.constant 0 : i32
      "tpu.region"() ({
        %run_scoped3A_93 = tpu.sem_alloc : memref<!tpu.dma_semaphore, #tpu.memory_space<semaphore_mem>>
        %dma_start3A_94 = arith.constant 0 : i32
        %dma_start3A_95 = arith.constant 0 : i32
        %dma_start3A_96 = tpu.memref_slice %arg3[%run_scoped3A, %dma_start3A_94, %dma_start3A_95] : memref<2x5120x128xi32, #tpu.memory_space<hbm>> -> memref<1x5120x128xi32, #tpu.memory_space<hbm>>
        %dma_start3A_97 = tpu.memref_squeeze %dma_start3A_96 : memref<1x5120x128xi32, #tpu.memory_space<hbm>> -> memref<5120x128xi32, #tpu.memory_space<hbm>>
        %dma_start3A_98 = arith.constant 0 : i32
        %dma_start3A_99 = tpu.memref_slice %dma_start3A_97[%add3A_29, %dma_start3A_98] : memref<5120x128xi32, #tpu.memory_space<hbm>> -> memref<16x128xi32, #tpu.memory_space<hbm>>
        %dma_start3A_100 = arith.constant 0 : i32
        %dma_start3A_101 = arith.constant 0 : i32
        %dma_start3A_102 = tpu.memref_slice %arg3[%run_scoped3A, %dma_start3A_100, %dma_start3A_101] : memref<2x5120x128xi32, #tpu.memory_space<hbm>> -> memref<1x5120x128xi32, #tpu.memory_space<hbm>>
        %dma_start3A_103 = tpu.memref_squeeze %dma_start3A_102 : memref<1x5120x128xi32, #tpu.memory_space<hbm>> -> memref<5120x128xi32, #tpu.memory_space<hbm>>
        %dma_start3A_104 = arith.constant 0 : i32
        %dma_start3A_105 = tpu.memref_slice %dma_start3A_103[%add3A_29, %dma_start3A_104] : memref<5120x128xi32, #tpu.memory_space<hbm>> -> memref<16x128xi32, #tpu.memory_space<hbm>>
        tpu.enqueue_dma source(%dma_start3A_105 : memref<16x128xi32, #tpu.memory_space<hbm>>) target(%arg6 : memref<16x128xi32, #tpu.memory_space<vmem>>) target_semaphore(%run_scoped3A_93 : memref<!tpu.dma_semaphore, #tpu.memory_space<semaphore_mem>>)
        %dma_wait3A_106 = arith.constant 0 : i32
        %dma_wait3A_107 = arith.constant 0 : i32
        %dma_wait3A_108 = tpu.memref_slice %arg3[%run_scoped3A, %dma_wait3A_106, %dma_wait3A_107] : memref<2x5120x128xi32, #tpu.memory_space<hbm>> -> memref<1x5120x128xi32, #tpu.memory_space<hbm>>
        %dma_wait3A_109 = tpu.memref_squeeze %dma_wait3A_108 : memref<1x5120x128xi32, #tpu.memory_space<hbm>> -> memref<5120x128xi32, #tpu.memory_space<hbm>>
        %dma_wait3A_110 = arith.constant 0 : i32
        %dma_wait3A_111 = tpu.memref_slice %dma_wait3A_109[%add3A_29, %dma_wait3A_110] : memref<5120x128xi32, #tpu.memory_space<hbm>> -> memref<16x128xi32, #tpu.memory_space<hbm>>
        %dma_wait3A_112 = arith.constant 0 : i32
        %dma_wait3A_113 = arith.constant 0 : i32
        %dma_wait3A_114 = tpu.memref_slice %arg3[%run_scoped3A, %dma_wait3A_112, %dma_wait3A_113] : memref<2x5120x128xi32, #tpu.memory_space<hbm>> -> memref<1x5120x128xi32, #tpu.memory_space<hbm>>
        %dma_wait3A_115 = tpu.memref_squeeze %dma_wait3A_114 : memref<1x5120x128xi32, #tpu.memory_space<hbm>> -> memref<5120x128xi32, #tpu.memory_space<hbm>>
        %dma_wait3A_116 = arith.constant 0 : i32
        %dma_wait3A_117 = tpu.memref_slice %dma_wait3A_115[%add3A_29, %dma_wait3A_116] : memref<5120x128xi32, #tpu.memory_space<hbm>> -> memref<16x128xi32, #tpu.memory_space<hbm>>
        tpu.wait_dma2 semaphore(%run_scoped3A_93 : memref<!tpu.dma_semaphore, #tpu.memory_space<semaphore_mem>>) src(%dma_wait3A_117 : memref<16x128xi32, #tpu.memory_space<hbm>>) dst(%arg6 : memref<16x128xi32, #tpu.memory_space<vmem>>)
        tpu.yield
      }) : () -> ()
      %mul3A_30 = arith.constant 16 : i32
      %mul3A_31 = arith.muli %while3A_26, %mul3A_30 : i32
      %add3A_32 = arith.addi %select_n3A, %mul3A_31 : i32
      %run_scoped3A_33 = arith.constant 1 : i32
      "tpu.region"() ({
        %run_scoped3A_93 = tpu.sem_alloc : memref<!tpu.dma_semaphore, #tpu.memory_space<semaphore_mem>>
        %dma_start3A_94 = arith.constant 0 : i32
        %dma_start3A_95 = arith.constant 0 : i32
        %dma_start3A_96 = tpu.memref_slice %arg3[%run_scoped3A_33, %dma_start3A_94, %dma_start3A_95] : memref<2x5120x128xi32, #tpu.memory_space<hbm>> -> memref<1x5120x128xi32, #tpu.memory_space<hbm>>
        %dma_start3A_97 = tpu.memref_squeeze %dma_start3A_96 : memref<1x5120x128xi32, #tpu.memory_space<hbm>> -> memref<5120x128xi32, #tpu.memory_space<hbm>>
        %dma_start3A_98 = arith.constant 0 : i32
        %dma_start3A_99 = tpu.memref_slice %dma_start3A_97[%add3A_32, %dma_start3A_98] : memref<5120x128xi32, #tpu.memory_space<hbm>> -> memref<16x128xi32, #tpu.memory_space<hbm>>
        %dma_start3A_100 = arith.constant 0 : i32
        %dma_start3A_101 = arith.constant 0 : i32
        %dma_start3A_102 = tpu.memref_slice %arg3[%run_scoped3A_33, %dma_start3A_100, %dma_start3A_101] : memref<2x5120x128xi32, #tpu.memory_space<hbm>> -> memref<1x5120x128xi32, #tpu.memory_space<hbm>>
        %dma_start3A_103 = tpu.memref_squeeze %dma_start3A_102 : memref<1x5120x128xi32, #tpu.memory_space<hbm>> -> memref<5120x128xi32, #tpu.memory_space<hbm>>
        %dma_start3A_104 = arith.constant 0 : i32
        %dma_start3A_105 = tpu.memref_slice %dma_start3A_103[%add3A_32, %dma_start3A_104] : memref<5120x128xi32, #tpu.memory_space<hbm>> -> memref<16x128xi32, #tpu.memory_space<hbm>>
        tpu.enqueue_dma source(%dma_start3A_105 : memref<16x128xi32, #tpu.memory_space<hbm>>) target(%arg7 : memref<16x128xi32, #tpu.memory_space<vmem>>) target_semaphore(%run_scoped3A_93 : memref<!tpu.dma_semaphore, #tpu.memory_space<semaphore_mem>>)
        %dma_wait3A_106 = arith.constant 0 : i32
        %dma_wait3A_107 = arith.constant 0 : i32
        %dma_wait3A_108 = tpu.memref_slice %arg3[%run_scoped3A_33, %dma_wait3A_106, %dma_wait3A_107] : memref<2x5120x128xi32, #tpu.memory_space<hbm>> -> memref<1x5120x128xi32, #tpu.memory_space<hbm>>
        %dma_wait3A_109 = tpu.memref_squeeze %dma_wait3A_108 : memref<1x5120x128xi32, #tpu.memory_space<hbm>> -> memref<5120x128xi32, #tpu.memory_space<hbm>>
        %dma_wait3A_110 = arith.constant 0 : i32
        %dma_wait3A_111 = tpu.memref_slice %dma_wait3A_109[%add3A_32, %dma_wait3A_110] : memref<5120x128xi32, #tpu.memory_space<hbm>> -> memref<16x128xi32, #tpu.memory_space<hbm>>
        %dma_wait3A_112 = arith.constant 0 : i32
        %dma_wait3A_113 = arith.constant 0 : i32
        %dma_wait3A_114 = tpu.memref_slice %arg3[%run_scoped3A_33, %dma_wait3A_112, %dma_wait3A_113] : memref<2x5120x128xi32, #tpu.memory_space<hbm>> -> memref<1x5120x128xi32, #tpu.memory_space<hbm>>
        %dma_wait3A_115 = tpu.memref_squeeze %dma_wait3A_114 : memref<1x5120x128xi32, #tpu.memory_space<hbm>> -> memref<5120x128xi32, #tpu.memory_space<hbm>>
        %dma_wait3A_116 = arith.constant 0 : i32
        %dma_wait3A_117 = tpu.memref_slice %dma_wait3A_115[%add3A_32, %dma_wait3A_116] : memref<5120x128xi32, #tpu.memory_space<hbm>> -> memref<16x128xi32, #tpu.memory_space<hbm>>
        tpu.wait_dma2 semaphore(%run_scoped3A_93 : memref<!tpu.dma_semaphore, #tpu.memory_space<semaphore_mem>>) src(%dma_wait3A_117 : memref<16x128xi32, #tpu.memory_space<hbm>>) dst(%arg7 : memref<16x128xi32, #tpu.memory_space<vmem>>)
        tpu.yield
      }) : () -> ()
      %dma_start3A = arith.constant 0 : i32
      %dma_start3A_34 = arith.constant 0 : i32
      %dma_start3A_35 = tpu.memref_slice %arg6[%dma_start3A, %dma_start3A_34] : memref<16x128xi32, #tpu.memory_space<vmem>> -> memref<1x128xi32, #tpu.memory_space<vmem>>
      %dma_start3A_36 = tpu.memref_squeeze %dma_start3A_35 : memref<1x128xi32, #tpu.memory_space<vmem>> -> memref<128xi32, #tpu.memory_space<vmem>>
      %dma_start3A_37 = arith.constant 0 : i32
      %dma_start3A_38 = arith.constant 0 : i32
      %dma_start3A_39 = tpu.memref_slice %arg2[%dma_start3A_37, %dma_start3A_38] : memref<10000x128xf32, #tpu.memory_space<hbm>> -> memref<10000x128xf32, #tpu.memory_space<hbm>>
      tpu.enqueue_indirect_dma source(%dma_start3A_39 : memref<10000x128xf32, #tpu.memory_space<hbm>>) target(%arg8 : memref<128x128xf32, #tpu.memory_space<vmem>>) offsets(%dma_start3A_36 : memref<128xi32, #tpu.memory_space<vmem>>) semaphore(%arg10 : memref<!tpu.dma_semaphore, #tpu.memory_space<semaphore_mem>>)
      %dma_start3A_40 = arith.constant 1 : i32
      %dma_start3A_41 = arith.constant 0 : i32
      %dma_start3A_42 = tpu.memref_slice %arg6[%dma_start3A_40, %dma_start3A_41] : memref<16x128xi32, #tpu.memory_space<vmem>> -> memref<1x128xi32, #tpu.memory_space<vmem>>
      %dma_start3A_43 = tpu.memref_squeeze %dma_start3A_42 : memref<1x128xi32, #tpu.memory_space<vmem>> -> memref<128xi32, #tpu.memory_space<vmem>>
      %dma_start3A_44 = arith.constant 0 : i32
      %dma_start3A_45 = arith.constant 0 : i32
      %dma_start3A_46 = tpu.memref_slice %arg2[%dma_start3A_44, %dma_start3A_45] : memref<10000x128xf32, #tpu.memory_space<hbm>> -> memref<10000x128xf32, #tpu.memory_space<hbm>>
      tpu.enqueue_indirect_dma source(%dma_start3A_46 : memref<10000x128xf32, #tpu.memory_space<hbm>>) target(%arg9 : memref<128x128xf32, #tpu.memory_space<vmem>>) offsets(%dma_start3A_43 : memref<128xi32, #tpu.memory_space<vmem>>) semaphore(%arg11 : memref<!tpu.dma_semaphore, #tpu.memory_space<semaphore_mem>>)
      %scan3A = arith.constant 0 : i32
      %scan3A_47 = arith.constant 0 : i32
      %scan3A_48 = arith.constant 7 : i32
      %scan3A_49 = arith.addi %scan3A_47, %scan3A_48 : i32
      %scan3A_50 = arith.constant 1 : i32
      scf.for %scan3A_93 = %scan3A_47 to %scan3A_49 step %scan3A_50  : i32 {
        %mul3A_94 = arith.constant 2 : i32
        %mul3A_95 = arith.muli %mul3A_94, %scan3A_93 : i32
        %dma_wait3A_96 = arith.constant 0 : i32
        %dma_wait3A_97 = arith.constant 0 : i32
        %dma_wait3A_98 = tpu.memref_slice %arg6[%dma_wait3A_96, %dma_wait3A_97] : memref<16x128xi32, #tpu.memory_space<vmem>> -> memref<1x128xi32, #tpu.memory_space<vmem>>
        %dma_wait3A_99 = tpu.memref_squeeze %dma_wait3A_98 : memref<1x128xi32, #tpu.memory_space<vmem>> -> memref<128xi32, #tpu.memory_space<vmem>>
        %dma_wait3A_100 = arith.constant 0 : i32
        %dma_wait3A_101 = arith.constant 0 : i32
        %dma_wait3A_102 = tpu.memref_slice %arg2[%dma_wait3A_100, %dma_wait3A_101] : memref<10000x128xf32, #tpu.memory_space<hbm>> -> memref<10000x128xf32, #tpu.memory_space<hbm>>
        tpu.wait_indirect_dma semaphore(%arg10 : memref<!tpu.dma_semaphore, #tpu.memory_space<semaphore_mem>>) src(%dma_wait3A_102 : memref<10000x128xf32, #tpu.memory_space<hbm>>) dst(%arg8 : memref<128x128xf32, #tpu.memory_space<vmem>>)
        %dma_start3A_103 = arith.constant 0 : i32
        %dma_start3A_104 = tpu.memref_slice %arg7[%mul3A_95, %dma_start3A_103] : memref<16x128xi32, #tpu.memory_space<vmem>> -> memref<1x128xi32, #tpu.memory_space<vmem>>
        %dma_start3A_105 = tpu.memref_squeeze %dma_start3A_104 : memref<1x128xi32, #tpu.memory_space<vmem>> -> memref<128xi32, #tpu.memory_space<vmem>>
        %dma_start3A_106 = arith.constant 0 : i32
        %dma_start3A_107 = arith.constant 0 : i32
        %dma_start3A_108 = tpu.memref_slice %arg14[%dma_start3A_106, %dma_start3A_107] : memref<10240x128xf32, #tpu.memory_space<vmem_shared>> -> memref<10240x128xf32, #tpu.memory_space<vmem_shared>>
        tpu.enqueue_indirect_dma source(%arg8 : memref<128x128xf32, #tpu.memory_space<vmem>>) target(%dma_start3A_108 : memref<10240x128xf32, #tpu.memory_space<vmem_shared>>) offsets(%dma_start3A_105 : memref<128xi32, #tpu.memory_space<vmem>>) semaphore(%arg12 : memref<!tpu.dma_semaphore, #tpu.memory_space<semaphore_mem>>) {add = true}
        %dma_wait3A_109 = arith.constant 0 : i32
        %dma_wait3A_110 = arith.constant 0 : i32
        %dma_wait3A_111 = tpu.memref_slice %arg6[%dma_wait3A_109, %dma_wait3A_110] : memref<16x128xi32, #tpu.memory_space<vmem>> -> memref<1x128xi32, #tpu.memory_space<vmem>>
        %dma_wait3A_112 = tpu.memref_squeeze %dma_wait3A_111 : memref<1x128xi32, #tpu.memory_space<vmem>> -> memref<128xi32, #tpu.memory_space<vmem>>
        %dma_wait3A_113 = arith.constant 0 : i32
        %dma_wait3A_114 = arith.constant 0 : i32
        %dma_wait3A_115 = tpu.memref_slice %arg2[%dma_wait3A_113, %dma_wait3A_114] : memref<10000x128xf32, #tpu.memory_space<hbm>> -> memref<10000x128xf32, #tpu.memory_space<hbm>>
        tpu.wait_indirect_dma semaphore(%arg11 : memref<!tpu.dma_semaphore, #tpu.memory_space<semaphore_mem>>) src(%dma_wait3A_115 : memref<10000x128xf32, #tpu.memory_space<hbm>>) dst(%arg9 : memref<128x128xf32, #tpu.memory_space<vmem>>)
        %add3A_116 = arith.constant 1 : i32
        %add3A_117 = arith.addi %mul3A_95, %add3A_116 : i32
        %dma_start3A_118 = arith.constant 0 : i32
        %dma_start3A_119 = tpu.memref_slice %arg7[%add3A_117, %dma_start3A_118] : memref<16x128xi32, #tpu.memory_space<vmem>> -> memref<1x128xi32, #tpu.memory_space<vmem>>
        %dma_start3A_120 = tpu.memref_squeeze %dma_start3A_119 : memref<1x128xi32, #tpu.memory_space<vmem>> -> memref<128xi32, #tpu.memory_space<vmem>>
        %dma_start3A_121 = arith.constant 0 : i32
        %dma_start3A_122 = arith.constant 0 : i32
        %dma_start3A_123 = tpu.memref_slice %arg14[%dma_start3A_121, %dma_start3A_122] : memref<10240x128xf32, #tpu.memory_space<vmem_shared>> -> memref<10240x128xf32, #tpu.memory_space<vmem_shared>>
        tpu.enqueue_indirect_dma source(%arg9 : memref<128x128xf32, #tpu.memory_space<vmem>>) target(%dma_start3A_123 : memref<10240x128xf32, #tpu.memory_space<vmem_shared>>) offsets(%dma_start3A_120 : memref<128xi32, #tpu.memory_space<vmem>>) semaphore(%arg13 : memref<!tpu.dma_semaphore, #tpu.memory_space<semaphore_mem>>) {add = true}
        %dma_wait3A_124 = arith.constant 0 : i32
        %dma_wait3A_125 = arith.constant 0 : i32
        %dma_wait3A_126 = tpu.memref_slice %arg6[%dma_wait3A_124, %dma_wait3A_125] : memref<16x128xi32, #tpu.memory_space<vmem>> -> memref<1x128xi32, #tpu.memory_space<vmem>>
        %dma_wait3A_127 = tpu.memref_squeeze %dma_wait3A_126 : memref<1x128xi32, #tpu.memory_space<vmem>> -> memref<128xi32, #tpu.memory_space<vmem>>
        %dma_wait3A_128 = arith.constant 0 : i32
        %dma_wait3A_129 = arith.constant 0 : i32
        %dma_wait3A_130 = tpu.memref_slice %arg2[%dma_wait3A_128, %dma_wait3A_129] : memref<10000x128xf32, #tpu.memory_space<hbm>> -> memref<10000x128xf32, #tpu.memory_space<hbm>>
        tpu.wait_indirect_dma semaphore(%arg12 : memref<!tpu.dma_semaphore, #tpu.memory_space<semaphore_mem>>) src(%dma_wait3A_130 : memref<10000x128xf32, #tpu.memory_space<hbm>>) dst(%arg8 : memref<128x128xf32, #tpu.memory_space<vmem>>)
        %add3A_131 = arith.constant 2 : i32
        %add3A_132 = arith.addi %mul3A_95, %add3A_131 : i32
        %dma_start3A_133 = arith.constant 0 : i32
        %dma_start3A_134 = tpu.memref_slice %arg6[%add3A_132, %dma_start3A_133] : memref<16x128xi32, #tpu.memory_space<vmem>> -> memref<1x128xi32, #tpu.memory_space<vmem>>
        %dma_start3A_135 = tpu.memref_squeeze %dma_start3A_134 : memref<1x128xi32, #tpu.memory_space<vmem>> -> memref<128xi32, #tpu.memory_space<vmem>>
        %dma_start3A_136 = arith.constant 0 : i32
        %dma_start3A_137 = arith.constant 0 : i32
        %dma_start3A_138 = tpu.memref_slice %arg2[%dma_start3A_136, %dma_start3A_137] : memref<10000x128xf32, #tpu.memory_space<hbm>> -> memref<10000x128xf32, #tpu.memory_space<hbm>>
        tpu.enqueue_indirect_dma source(%dma_start3A_138 : memref<10000x128xf32, #tpu.memory_space<hbm>>) target(%arg8 : memref<128x128xf32, #tpu.memory_space<vmem>>) offsets(%dma_start3A_135 : memref<128xi32, #tpu.memory_space<vmem>>) semaphore(%arg10 : memref<!tpu.dma_semaphore, #tpu.memory_space<semaphore_mem>>)
        %dma_wait3A_139 = arith.constant 0 : i32
        %dma_wait3A_140 = arith.constant 0 : i32
        %dma_wait3A_141 = tpu.memref_slice %arg6[%dma_wait3A_139, %dma_wait3A_140] : memref<16x128xi32, #tpu.memory_space<vmem>> -> memref<1x128xi32, #tpu.memory_space<vmem>>
        %dma_wait3A_142 = tpu.memref_squeeze %dma_wait3A_141 : memref<1x128xi32, #tpu.memory_space<vmem>> -> memref<128xi32, #tpu.memory_space<vmem>>
        %dma_wait3A_143 = arith.constant 0 : i32
        %dma_wait3A_144 = arith.constant 0 : i32
        %dma_wait3A_145 = tpu.memref_slice %arg2[%dma_wait3A_143, %dma_wait3A_144] : memref<10000x128xf32, #tpu.memory_space<hbm>> -> memref<10000x128xf32, #tpu.memory_space<hbm>>
        tpu.wait_indirect_dma semaphore(%arg13 : memref<!tpu.dma_semaphore, #tpu.memory_space<semaphore_mem>>) src(%dma_wait3A_145 : memref<10000x128xf32, #tpu.memory_space<hbm>>) dst(%arg9 : memref<128x128xf32, #tpu.memory_space<vmem>>)
        %add3A_146 = arith.constant 3 : i32
        %add3A_147 = arith.addi %mul3A_95, %add3A_146 : i32
        %dma_start3A_148 = arith.constant 0 : i32
        %dma_start3A_149 = tpu.memref_slice %arg6[%add3A_147, %dma_start3A_148] : memref<16x128xi32, #tpu.memory_space<vmem>> -> memref<1x128xi32, #tpu.memory_space<vmem>>
        %dma_start3A_150 = tpu.memref_squeeze %dma_start3A_149 : memref<1x128xi32, #tpu.memory_space<vmem>> -> memref<128xi32, #tpu.memory_space<vmem>>
        %dma_start3A_151 = arith.constant 0 : i32
        %dma_start3A_152 = arith.constant 0 : i32
        %dma_start3A_153 = tpu.memref_slice %arg2[%dma_start3A_151, %dma_start3A_152] : memref<10000x128xf32, #tpu.memory_space<hbm>> -> memref<10000x128xf32, #tpu.memory_space<hbm>>
        tpu.enqueue_indirect_dma source(%dma_start3A_153 : memref<10000x128xf32, #tpu.memory_space<hbm>>) target(%arg9 : memref<128x128xf32, #tpu.memory_space<vmem>>) offsets(%dma_start3A_150 : memref<128xi32, #tpu.memory_space<vmem>>) semaphore(%arg11 : memref<!tpu.dma_semaphore, #tpu.memory_space<semaphore_mem>>)
      }
      %scan3A_51 = arith.constant 7 : i32
      %dma_wait3A = arith.constant 0 : i32
      %dma_wait3A_52 = arith.constant 0 : i32
      %dma_wait3A_53 = tpu.memref_slice %arg6[%dma_wait3A, %dma_wait3A_52] : memref<16x128xi32, #tpu.memory_space<vmem>> -> memref<1x128xi32, #tpu.memory_space<vmem>>
      %dma_wait3A_54 = tpu.memref_squeeze %dma_wait3A_53 : memref<1x128xi32, #tpu.memory_space<vmem>> -> memref<128xi32, #tpu.memory_space<vmem>>
      %dma_wait3A_55 = arith.constant 0 : i32
      %dma_wait3A_56 = arith.constant 0 : i32
      %dma_wait3A_57 = tpu.memref_slice %arg2[%dma_wait3A_55, %dma_wait3A_56] : memref<10000x128xf32, #tpu.memory_space<hbm>> -> memref<10000x128xf32, #tpu.memory_space<hbm>>
      tpu.wait_indirect_dma semaphore(%arg10 : memref<!tpu.dma_semaphore, #tpu.memory_space<semaphore_mem>>) src(%dma_wait3A_57 : memref<10000x128xf32, #tpu.memory_space<hbm>>) dst(%arg8 : memref<128x128xf32, #tpu.memory_space<vmem>>)
      %dma_start3A_58 = arith.constant 14 : i32
      %dma_start3A_59 = arith.constant 0 : i32
      %dma_start3A_60 = tpu.memref_slice %arg7[%dma_start3A_58, %dma_start3A_59] : memref<16x128xi32, #tpu.memory_space<vmem>> -> memref<1x128xi32, #tpu.memory_space<vmem>>
      %dma_start3A_61 = tpu.memref_squeeze %dma_start3A_60 : memref<1x128xi32, #tpu.memory_space<vmem>> -> memref<128xi32, #tpu.memory_space<vmem>>
      %dma_start3A_62 = arith.constant 0 : i32
      %dma_start3A_63 = arith.constant 0 : i32
      %dma_start3A_64 = tpu.memref_slice %arg14[%dma_start3A_62, %dma_start3A_63] : memref<10240x128xf32, #tpu.memory_space<vmem_shared>> -> memref<10240x128xf32, #tpu.memory_space<vmem_shared>>
      tpu.enqueue_indirect_dma source(%arg8 : memref<128x128xf32, #tpu.memory_space<vmem>>) target(%dma_start3A_64 : memref<10240x128xf32, #tpu.memory_space<vmem_shared>>) offsets(%dma_start3A_61 : memref<128xi32, #tpu.memory_space<vmem>>) semaphore(%arg12 : memref<!tpu.dma_semaphore, #tpu.memory_space<semaphore_mem>>) {add = true}
      %dma_wait3A_65 = arith.constant 0 : i32
      %dma_wait3A_66 = arith.constant 0 : i32
      %dma_wait3A_67 = tpu.memref_slice %arg6[%dma_wait3A_65, %dma_wait3A_66] : memref<16x128xi32, #tpu.memory_space<vmem>> -> memref<1x128xi32, #tpu.memory_space<vmem>>
      %dma_wait3A_68 = tpu.memref_squeeze %dma_wait3A_67 : memref<1x128xi32, #tpu.memory_space<vmem>> -> memref<128xi32, #tpu.memory_space<vmem>>
      %dma_wait3A_69 = arith.constant 0 : i32
      %dma_wait3A_70 = arith.constant 0 : i32
      %dma_wait3A_71 = tpu.memref_slice %arg2[%dma_wait3A_69, %dma_wait3A_70] : memref<10000x128xf32, #tpu.memory_space<hbm>> -> memref<10000x128xf32, #tpu.memory_space<hbm>>
      tpu.wait_indirect_dma semaphore(%arg11 : memref<!tpu.dma_semaphore, #tpu.memory_space<semaphore_mem>>) src(%dma_wait3A_71 : memref<10000x128xf32, #tpu.memory_space<hbm>>) dst(%arg9 : memref<128x128xf32, #tpu.memory_space<vmem>>)
      %dma_start3A_72 = arith.constant 15 : i32
      %dma_start3A_73 = arith.constant 0 : i32
      %dma_start3A_74 = tpu.memref_slice %arg7[%dma_start3A_72, %dma_start3A_73] : memref<16x128xi32, #tpu.memory_space<vmem>> -> memref<1x128xi32, #tpu.memory_space<vmem>>
      %dma_start3A_75 = tpu.memref_squeeze %dma_start3A_74 : memref<1x128xi32, #tpu.memory_space<vmem>> -> memref<128xi32, #tpu.memory_space<vmem>>
      %dma_start3A_76 = arith.constant 0 : i32
      %dma_start3A_77 = arith.constant 0 : i32
      %dma_start3A_78 = tpu.memref_slice %arg14[%dma_start3A_76, %dma_start3A_77] : memref<10240x128xf32, #tpu.memory_space<vmem_shared>> -> memref<10240x128xf32, #tpu.memory_space<vmem_shared>>
      tpu.enqueue_indirect_dma source(%arg9 : memref<128x128xf32, #tpu.memory_space<vmem>>) target(%dma_start3A_78 : memref<10240x128xf32, #tpu.memory_space<vmem_shared>>) offsets(%dma_start3A_75 : memref<128xi32, #tpu.memory_space<vmem>>) semaphore(%arg13 : memref<!tpu.dma_semaphore, #tpu.memory_space<semaphore_mem>>) {add = true}
      %dma_wait3A_79 = arith.constant 0 : i32
      %dma_wait3A_80 = arith.constant 0 : i32
      %dma_wait3A_81 = tpu.memref_slice %arg6[%dma_wait3A_79, %dma_wait3A_80] : memref<16x128xi32, #tpu.memory_space<vmem>> -> memref<1x128xi32, #tpu.memory_space<vmem>>
      %dma_wait3A_82 = tpu.memref_squeeze %dma_wait3A_81 : memref<1x128xi32, #tpu.memory_space<vmem>> -> memref<128xi32, #tpu.memory_space<vmem>>
      %dma_wait3A_83 = arith.constant 0 : i32
      %dma_wait3A_84 = arith.constant 0 : i32
      %dma_wait3A_85 = tpu.memref_slice %arg2[%dma_wait3A_83, %dma_wait3A_84] : memref<10000x128xf32, #tpu.memory_space<hbm>> -> memref<10000x128xf32, #tpu.memory_space<hbm>>
      tpu.wait_indirect_dma semaphore(%arg12 : memref<!tpu.dma_semaphore, #tpu.memory_space<semaphore_mem>>) src(%dma_wait3A_85 : memref<10000x128xf32, #tpu.memory_space<hbm>>) dst(%arg8 : memref<128x128xf32, #tpu.memory_space<vmem>>)
      %dma_wait3A_86 = arith.constant 0 : i32
      %dma_wait3A_87 = arith.constant 0 : i32
      %dma_wait3A_88 = tpu.memref_slice %arg6[%dma_wait3A_86, %dma_wait3A_87] : memref<16x128xi32, #tpu.memory_space<vmem>> -> memref<1x128xi32, #tpu.memory_space<vmem>>
      %dma_wait3A_89 = tpu.memref_squeeze %dma_wait3A_88 : memref<1x128xi32, #tpu.memory_space<vmem>> -> memref<128xi32, #tpu.memory_space<vmem>>
      %dma_wait3A_90 = arith.constant 0 : i32
      %dma_wait3A_91 = arith.constant 0 : i32
      %dma_wait3A_92 = tpu.memref_slice %arg2[%dma_wait3A_90, %dma_wait3A_91] : memref<10000x128xf32, #tpu.memory_space<hbm>> -> memref<10000x128xf32, #tpu.memory_space<hbm>>
      tpu.wait_indirect_dma semaphore(%arg13 : memref<!tpu.dma_semaphore, #tpu.memory_space<semaphore_mem>>) src(%dma_wait3A_92 : memref<10000x128xf32, #tpu.memory_space<hbm>>) dst(%arg9 : memref<128x128xf32, #tpu.memory_space<vmem>>)
    }
    %barrier3A_21 = arith.constant 0 : index
    tpu.barrier barrier_id(%barrier3A_21)
    %mul3A_22 = arith.constant 640 : i32
    %mul3A_23 = arith.muli %arg1, %mul3A_22 : i32
    %mul3A_24 = arith.constant 640 : i32
    %mul3A_25 = arith.muli %arg1, %mul3A_24 : i32
    "tpu.region"() ({
      %run_scoped3A = tpu.sem_alloc : memref<!tpu.dma_semaphore, #tpu.memory_space<semaphore_mem>>
      %dma_start3A = arith.constant 0 : i32
      %dma_start3A_26 = arith.constant 0 : i32
      %dma_start3A_27 = tpu.memref_slice %arg5[%arg0, %dma_start3A, %dma_start3A_26] : memref<2x10240x128xf32, #tpu.memory_space<hbm>> -> memref<1x10240x128xf32, #tpu.memory_space<hbm>>
      %dma_start3A_28 = tpu.memref_squeeze %dma_start3A_27 : memref<1x10240x128xf32, #tpu.memory_space<hbm>> -> memref<10240x128xf32, #tpu.memory_space<hbm>>
      %dma_start3A_29 = arith.constant 0 : i32
      %dma_start3A_30 = tpu.memref_slice %dma_start3A_28[%mul3A_25, %dma_start3A_29] : memref<10240x128xf32, #tpu.memory_space<hbm>> -> memref<640x128xf32, #tpu.memory_space<hbm>>
      %dma_start3A_31 = arith.constant 0 : i32
      %dma_start3A_32 = tpu.memref_slice %arg14[%mul3A_23, %dma_start3A_31] : memref<10240x128xf32, #tpu.memory_space<vmem_shared>> -> memref<640x128xf32, #tpu.memory_space<vmem_shared>>
      tpu.enqueue_dma source(%dma_start3A_32 : memref<640x128xf32, #tpu.memory_space<vmem_shared>>) target(%dma_start3A_30 : memref<640x128xf32, #tpu.memory_space<hbm>>) target_semaphore(%run_scoped3A : memref<!tpu.dma_semaphore, #tpu.memory_space<semaphore_mem>>)
      %dma_wait3A = arith.constant 0 : i32
      %dma_wait3A_33 = arith.constant 0 : i32
      %dma_wait3A_34 = tpu.memref_slice %arg5[%arg0, %dma_wait3A, %dma_wait3A_33] : memref<2x10240x128xf32, #tpu.memory_space<hbm>> -> memref<1x10240x128xf32, #tpu.memory_space<hbm>>
      %dma_wait3A_35 = tpu.memref_squeeze %dma_wait3A_34 : memref<1x10240x128xf32, #tpu.memory_space<hbm>> -> memref<10240x128xf32, #tpu.memory_space<hbm>>
      %dma_wait3A_36 = arith.constant 0 : i32
      %dma_wait3A_37 = tpu.memref_slice %dma_wait3A_35[%mul3A_25, %dma_wait3A_36] : memref<10240x128xf32, #tpu.memory_space<hbm>> -> memref<640x128xf32, #tpu.memory_space<hbm>>
      %dma_wait3A_38 = arith.constant 0 : i32
      %dma_wait3A_39 = tpu.memref_slice %arg14[%mul3A_23, %dma_wait3A_38] : memref<10240x128xf32, #tpu.memory_space<vmem_shared>> -> memref<640x128xf32, #tpu.memory_space<vmem_shared>>
      tpu.wait_dma2 semaphore(%run_scoped3A : memref<!tpu.dma_semaphore, #tpu.memory_space<semaphore_mem>>) src(%dma_wait3A_39 : memref<640x128xf32, #tpu.memory_space<vmem_shared>>) dst(%dma_wait3A_37 : memref<640x128xf32, #tpu.memory_space<hbm>>)
      tpu.yield
    }) : () -> ()
    return
  }
}

#map = affine_map<(d0, d1) -> (0, 0)>
#map1 = affine_map<(d0, d1) -> (0, 0, 0)>
module attributes {stable_mosaic.version = 14 : i64} {
  func.func @k(%arg0: i32, %arg1: i32, %arg2: memref<10000x128xf32, #tpu.memory_space<hbm>>, %arg3: memref<2x5120x128xi32, #tpu.memory_space<hbm>>, %arg4: memref<10240x128xf32, #tpu.memory_space<hbm>>, %arg5: memref<2x10240x128xf32, #tpu.memory_space<hbm>>, %arg6: memref<16x128xi32, #tpu.memory_space<vmem>>, %arg7: memref<16x128xi32, #tpu.memory_space<vmem>>, %arg8: memref<128x128xf32, #tpu.memory_space<vmem>>, %arg9: memref<128x128xf32, #tpu.memory_space<vmem>>, %arg10: memref<!tpu.dma_semaphore, #tpu.memory_space<semaphore_mem>>, %arg11: memref<!tpu.dma_semaphore, #tpu.memory_space<semaphore_mem>>, %arg12: memref<!tpu.dma_semaphore, #tpu.memory_space<semaphore_mem>>, %arg13: memref<!tpu.dma_semaphore, #tpu.memory_space<semaphore_mem>>, %arg14: memref<10240x128xf32, #tpu.memory_space<vmem_shared>>) attributes {dimension_semantics = [#tpu.dimension_semantics<core_parallel>, #tpu.dimension_semantics<subcore_parallel>], iteration_bounds = array<i64: 2, 16>, scalar_prefetch = 0 : i64, scratch_operands = 9 : i64, tpu.core_type = #tpu.core_type<sc_vector_subcore>, window_params = [{transform_indices = #map}, {transform_indices = #map1}, {transform_indices = #map}, {transform_indices = #map1}]} {
    %eq3A = arith.constant 0 : i32
    %eq3A_0 = arith.cmpi eq, %arg0, %eq3A : i32
    %mul3A = arith.constant 304 : i32
    %mul3A_1 = arith.muli %arg1, %mul3A : i32
    %mul3A_2 = arith.constant 16 : i32
    %mul3A_3 = arith.muli %arg1, %mul3A_2 : i32
    %add3A = arith.constant 4864 : i32
    %add3A_4 = arith.addi %add3A, %mul3A_3 : i32
    %select_n3A = arith.select %eq3A_0, %mul3A_1, %add3A_4 : i32
    %eq3A_5 = arith.constant 0 : i32
    %eq3A_6 = arith.cmpi eq, %arg0, %eq3A_5 : i32
    %jit3A = arith.constant 19 : i32
    %jit3A_7 = arith.constant 1 : i32
    %select_n3A_8 = arith.select %eq3A_6, %jit3A, %jit3A_7 : i32
    %eq3A_9 = arith.constant 0 : i32
    %eq3A_10 = arith.cmpi eq, %arg1, %eq3A_9 : i32
    %convert_element_type3A = arith.extui %eq3A_10 : i1 to i32
    %cond3A = arith.constant 0 : i32
    %cond3A_11 = arith.cmpi ne, %convert_element_type3A, %cond3A : i32
    scf.if %cond3A_11 {
      "tpu.region"() ({
        %run_scoped3A = tpu.sem_alloc : memref<!tpu.dma_semaphore, #tpu.memory_space<semaphore_mem>>
        tpu.enqueue_dma source(%arg4 : memref<10240x128xf32, #tpu.memory_space<hbm>>) target(%arg14 : memref<10240x128xf32, #tpu.memory_space<vmem_shared>>) target_semaphore(%run_scoped3A : memref<!tpu.dma_semaphore, #tpu.memory_space<semaphore_mem>>)
        tpu.wait_dma2 semaphore(%run_scoped3A : memref<!tpu.dma_semaphore, #tpu.memory_space<semaphore_mem>>) src(%arg4 : memref<10240x128xf32, #tpu.memory_space<hbm>>) dst(%arg14 : memref<10240x128xf32, #tpu.memory_space<vmem_shared>>)
        tpu.yield
      }) : () -> ()
    } else {
    }
    %barrier3A = arith.constant 0 : index
    tpu.barrier barrier_id(%barrier3A)
    %while3A = arith.constant 0 : i32
    %while3A_12 = arith.constant 0 : i32
    %while3A_13 = arith.subi %select_n3A_8, %while3A_12 : i32
    %while3A_14 = arith.addi %while3A_12, %while3A_13 : i32
    %while3A_15 = arith.constant 1 : i32
    %while3A_16 = arith.divsi %while3A_13, %while3A_15 : i32
    %while3A_17 = arith.muli %while3A_16, %while3A_15 : i32
    %while3A_18 = arith.addi %while3A_12, %while3A_17 : i32
    %while3A_19 = arith.constant 1 : i32
    scf.for %while3A_26 = %while3A_12 to %while3A_18 step %while3A_19  : i32 {
      %mul3A_27 = arith.constant 16 : i32
      %mul3A_28 = arith.muli %while3A_26, %mul3A_27 : i32
      %add3A_29 = arith.addi %select_n3A, %mul3A_28 : i32
      %run_scoped3A = arith.constant 0 : i32
      "tpu.region"() ({
        %run_scoped3A_93 = tpu.sem_alloc : memref<!tpu.dma_semaphore, #tpu.memory_space<semaphore_mem>>
        %dma_start3A_94 = arith.constant 0 : i32
        %dma_start3A_95 = arith.constant 0 : i32
        %dma_start3A_96 = tpu.memref_slice %arg3[%run_scoped3A, %dma_start3A_94, %dma_start3A_95] : memref<2x5120x128xi32, #tpu.memory_space<hbm>> -> memref<1x5120x128xi32, #tpu.memory_space<hbm>>
        %dma_start3A_97 = tpu.memref_squeeze %dma_start3A_96 : memref<1x5120x128xi32, #tpu.memory_space<hbm>> -> memref<5120x128xi32, #tpu.memory_space<hbm>>
        %dma_start3A_98 = arith.constant 0 : i32
        %dma_start3A_99 = tpu.memref_slice %dma_start3A_97[%add3A_29, %dma_start3A_98] : memref<5120x128xi32, #tpu.memory_space<hbm>> -> memref<16x128xi32, #tpu.memory_space<hbm>>
        %dma_start3A_100 = arith.constant 0 : i32
        %dma_start3A_101 = arith.constant 0 : i32
        %dma_start3A_102 = tpu.memref_slice %arg3[%run_scoped3A, %dma_start3A_100, %dma_start3A_101] : memref<2x5120x128xi32, #tpu.memory_space<hbm>> -> memref<1x5120x128xi32, #tpu.memory_space<hbm>>
        %dma_start3A_103 = tpu.memref_squeeze %dma_start3A_102 : memref<1x5120x128xi32, #tpu.memory_space<hbm>> -> memref<5120x128xi32, #tpu.memory_space<hbm>>
        %dma_start3A_104 = arith.constant 0 : i32
        %dma_start3A_105 = tpu.memref_slice %dma_start3A_103[%add3A_29, %dma_start3A_104] : memref<5120x128xi32, #tpu.memory_space<hbm>> -> memref<16x128xi32, #tpu.memory_space<hbm>>
        tpu.enqueue_dma source(%dma_start3A_105 : memref<16x128xi32, #tpu.memory_space<hbm>>) target(%arg6 : memref<16x128xi32, #tpu.memory_space<vmem>>) target_semaphore(%run_scoped3A_93 : memref<!tpu.dma_semaphore, #tpu.memory_space<semaphore_mem>>)
        %dma_wait3A_106 = arith.constant 0 : i32
        %dma_wait3A_107 = arith.constant 0 : i32
        %dma_wait3A_108 = tpu.memref_slice %arg3[%run_scoped3A, %dma_wait3A_106, %dma_wait3A_107] : memref<2x5120x128xi32, #tpu.memory_space<hbm>> -> memref<1x5120x128xi32, #tpu.memory_space<hbm>>
        %dma_wait3A_109 = tpu.memref_squeeze %dma_wait3A_108 : memref<1x5120x128xi32, #tpu.memory_space<hbm>> -> memref<5120x128xi32, #tpu.memory_space<hbm>>
        %dma_wait3A_110 = arith.constant 0 : i32
        %dma_wait3A_111 = tpu.memref_slice %dma_wait3A_109[%add3A_29, %dma_wait3A_110] : memref<5120x128xi32, #tpu.memory_space<hbm>> -> memref<16x128xi32, #tpu.memory_space<hbm>>
        %dma_wait3A_112 = arith.constant 0 : i32
        %dma_wait3A_113 = arith.constant 0 : i32
        %dma_wait3A_114 = tpu.memref_slice %arg3[%run_scoped3A, %dma_wait3A_112, %dma_wait3A_113] : memref<2x5120x128xi32, #tpu.memory_space<hbm>> -> memref<1x5120x128xi32, #tpu.memory_space<hbm>>
        %dma_wait3A_115 = tpu.memref_squeeze %dma_wait3A_114 : memref<1x5120x128xi32, #tpu.memory_space<hbm>> -> memref<5120x128xi32, #tpu.memory_space<hbm>>
        %dma_wait3A_116 = arith.constant 0 : i32
        %dma_wait3A_117 = tpu.memref_slice %dma_wait3A_115[%add3A_29, %dma_wait3A_116] : memref<5120x128xi32, #tpu.memory_space<hbm>> -> memref<16x128xi32, #tpu.memory_space<hbm>>
        tpu.wait_dma2 semaphore(%run_scoped3A_93 : memref<!tpu.dma_semaphore, #tpu.memory_space<semaphore_mem>>) src(%dma_wait3A_117 : memref<16x128xi32, #tpu.memory_space<hbm>>) dst(%arg6 : memref<16x128xi32, #tpu.memory_space<vmem>>)
        tpu.yield
      }) : () -> ()
      %mul3A_30 = arith.constant 16 : i32
      %mul3A_31 = arith.muli %while3A_26, %mul3A_30 : i32
      %add3A_32 = arith.addi %select_n3A, %mul3A_31 : i32
      %run_scoped3A_33 = arith.constant 1 : i32
      "tpu.region"() ({
        %run_scoped3A_93 = tpu.sem_alloc : memref<!tpu.dma_semaphore, #tpu.memory_space<semaphore_mem>>
        %dma_start3A_94 = arith.constant 0 : i32
        %dma_start3A_95 = arith.constant 0 : i32
        %dma_start3A_96 = tpu.memref_slice %arg3[%run_scoped3A_33, %dma_start3A_94, %dma_start3A_95] : memref<2x5120x128xi32, #tpu.memory_space<hbm>> -> memref<1x5120x128xi32, #tpu.memory_space<hbm>>
        %dma_start3A_97 = tpu.memref_squeeze %dma_start3A_96 : memref<1x5120x128xi32, #tpu.memory_space<hbm>> -> memref<5120x128xi32, #tpu.memory_space<hbm>>
        %dma_start3A_98 = arith.constant 0 : i32
        %dma_start3A_99 = tpu.memref_slice %dma_start3A_97[%add3A_32, %dma_start3A_98] : memref<5120x128xi32, #tpu.memory_space<hbm>> -> memref<16x128xi32, #tpu.memory_space<hbm>>
        %dma_start3A_100 = arith.constant 0 : i32
        %dma_start3A_101 = arith.constant 0 : i32
        %dma_start3A_102 = tpu.memref_slice %arg3[%run_scoped3A_33, %dma_start3A_100, %dma_start3A_101] : memref<2x5120x128xi32, #tpu.memory_space<hbm>> -> memref<1x5120x128xi32, #tpu.memory_space<hbm>>
        %dma_start3A_103 = tpu.memref_squeeze %dma_start3A_102 : memref<1x5120x128xi32, #tpu.memory_space<hbm>> -> memref<5120x128xi32, #tpu.memory_space<hbm>>
        %dma_start3A_104 = arith.constant 0 : i32
        %dma_start3A_105 = tpu.memref_slice %dma_start3A_103[%add3A_32, %dma_start3A_104] : memref<5120x128xi32, #tpu.memory_space<hbm>> -> memref<16x128xi32, #tpu.memory_space<hbm>>
        tpu.enqueue_dma source(%dma_start3A_105 : memref<16x128xi32, #tpu.memory_space<hbm>>) target(%arg7 : memref<16x128xi32, #tpu.memory_space<vmem>>) target_semaphore(%run_scoped3A_93 : memref<!tpu.dma_semaphore, #tpu.memory_space<semaphore_mem>>)
        %dma_wait3A_106 = arith.constant 0 : i32
        %dma_wait3A_107 = arith.constant 0 : i32
        %dma_wait3A_108 = tpu.memref_slice %arg3[%run_scoped3A_33, %dma_wait3A_106, %dma_wait3A_107] : memref<2x5120x128xi32, #tpu.memory_space<hbm>> -> memref<1x5120x128xi32, #tpu.memory_space<hbm>>
        %dma_wait3A_109 = tpu.memref_squeeze %dma_wait3A_108 : memref<1x5120x128xi32, #tpu.memory_space<hbm>> -> memref<5120x128xi32, #tpu.memory_space<hbm>>
        %dma_wait3A_110 = arith.constant 0 : i32
        %dma_wait3A_111 = tpu.memref_slice %dma_wait3A_109[%add3A_32, %dma_wait3A_110] : memref<5120x128xi32, #tpu.memory_space<hbm>> -> memref<16x128xi32, #tpu.memory_space<hbm>>
        %dma_wait3A_112 = arith.constant 0 : i32
        %dma_wait3A_113 = arith.constant 0 : i32
        %dma_wait3A_114 = tpu.memref_slice %arg3[%run_scoped3A_33, %dma_wait3A_112, %dma_wait3A_113] : memref<2x5120x128xi32, #tpu.memory_space<hbm>> -> memref<1x5120x128xi32, #tpu.memory_space<hbm>>
        %dma_wait3A_115 = tpu.memref_squeeze %dma_wait3A_114 : memref<1x5120x128xi32, #tpu.memory_space<hbm>> -> memref<5120x128xi32, #tpu.memory_space<hbm>>
        %dma_wait3A_116 = arith.constant 0 : i32
        %dma_wait3A_117 = tpu.memref_slice %dma_wait3A_115[%add3A_32, %dma_wait3A_116] : memref<5120x128xi32, #tpu.memory_space<hbm>> -> memref<16x128xi32, #tpu.memory_space<hbm>>
        tpu.wait_dma2 semaphore(%run_scoped3A_93 : memref<!tpu.dma_semaphore, #tpu.memory_space<semaphore_mem>>) src(%dma_wait3A_117 : memref<16x128xi32, #tpu.memory_space<hbm>>) dst(%arg7 : memref<16x128xi32, #tpu.memory_space<vmem>>)
        tpu.yield
      }) : () -> ()
      %dma_start3A = arith.constant 0 : i32
      %dma_start3A_34 = arith.constant 0 : i32
      %dma_start3A_35 = tpu.memref_slice %arg6[%dma_start3A, %dma_start3A_34] : memref<16x128xi32, #tpu.memory_space<vmem>> -> memref<1x128xi32, #tpu.memory_space<vmem>>
      %dma_start3A_36 = tpu.memref_squeeze %dma_start3A_35 : memref<1x128xi32, #tpu.memory_space<vmem>> -> memref<128xi32, #tpu.memory_space<vmem>>
      %dma_start3A_37 = arith.constant 0 : i32
      %dma_start3A_38 = arith.constant 0 : i32
      %dma_start3A_39 = tpu.memref_slice %arg2[%dma_start3A_37, %dma_start3A_38] : memref<10000x128xf32, #tpu.memory_space<hbm>> -> memref<10000x128xf32, #tpu.memory_space<hbm>>
      tpu.enqueue_indirect_dma source(%dma_start3A_39 : memref<10000x128xf32, #tpu.memory_space<hbm>>) target(%arg8 : memref<128x128xf32, #tpu.memory_space<vmem>>) offsets(%dma_start3A_36 : memref<128xi32, #tpu.memory_space<vmem>>) semaphore(%arg10 : memref<!tpu.dma_semaphore, #tpu.memory_space<semaphore_mem>>)
      %dma_start3A_40 = arith.constant 1 : i32
      %dma_start3A_41 = arith.constant 0 : i32
      %dma_start3A_42 = tpu.memref_slice %arg6[%dma_start3A_40, %dma_start3A_41] : memref<16x128xi32, #tpu.memory_space<vmem>> -> memref<1x128xi32, #tpu.memory_space<vmem>>
      %dma_start3A_43 = tpu.memref_squeeze %dma_start3A_42 : memref<1x128xi32, #tpu.memory_space<vmem>> -> memref<128xi32, #tpu.memory_space<vmem>>
      %dma_start3A_44 = arith.constant 0 : i32
      %dma_start3A_45 = arith.constant 0 : i32
      %dma_start3A_46 = tpu.memref_slice %arg2[%dma_start3A_44, %dma_start3A_45] : memref<10000x128xf32, #tpu.memory_space<hbm>> -> memref<10000x128xf32, #tpu.memory_space<hbm>>
      tpu.enqueue_indirect_dma source(%dma_start3A_46 : memref<10000x128xf32, #tpu.memory_space<hbm>>) target(%arg9 : memref<128x128xf32, #tpu.memory_space<vmem>>) offsets(%dma_start3A_43 : memref<128xi32, #tpu.memory_space<vmem>>) semaphore(%arg11 : memref<!tpu.dma_semaphore, #tpu.memory_space<semaphore_mem>>)
      %scan3A = arith.constant 0 : i32
      %scan3A_47 = arith.constant 0 : i32
      %scan3A_48 = arith.constant 7 : i32
      %scan3A_49 = arith.addi %scan3A_47, %scan3A_48 : i32
      %scan3A_50 = arith.constant 1 : i32
      scf.for %scan3A_93 = %scan3A_47 to %scan3A_49 step %scan3A_50  : i32 {
        %mul3A_94 = arith.constant 2 : i32
        %mul3A_95 = arith.muli %mul3A_94, %scan3A_93 : i32
        %dma_wait3A_96 = arith.constant 0 : i32
        %dma_wait3A_97 = arith.constant 0 : i32
        %dma_wait3A_98 = tpu.memref_slice %arg6[%dma_wait3A_96, %dma_wait3A_97] : memref<16x128xi32, #tpu.memory_space<vmem>> -> memref<1x128xi32, #tpu.memory_space<vmem>>
        %dma_wait3A_99 = tpu.memref_squeeze %dma_wait3A_98 : memref<1x128xi32, #tpu.memory_space<vmem>> -> memref<128xi32, #tpu.memory_space<vmem>>
        %dma_wait3A_100 = arith.constant 0 : i32
        %dma_wait3A_101 = arith.constant 0 : i32
        %dma_wait3A_102 = tpu.memref_slice %arg2[%dma_wait3A_100, %dma_wait3A_101] : memref<10000x128xf32, #tpu.memory_space<hbm>> -> memref<10000x128xf32, #tpu.memory_space<hbm>>
        tpu.wait_indirect_dma semaphore(%arg10 : memref<!tpu.dma_semaphore, #tpu.memory_space<semaphore_mem>>) src(%dma_wait3A_102 : memref<10000x128xf32, #tpu.memory_space<hbm>>) dst(%arg8 : memref<128x128xf32, #tpu.memory_space<vmem>>)
        %dma_start3A_103 = arith.constant 0 : i32
        %dma_start3A_104 = tpu.memref_slice %arg7[%mul3A_95, %dma_start3A_103] : memref<16x128xi32, #tpu.memory_space<vmem>> -> memref<1x128xi32, #tpu.memory_space<vmem>>
        %dma_start3A_105 = tpu.memref_squeeze %dma_start3A_104 : memref<1x128xi32, #tpu.memory_space<vmem>> -> memref<128xi32, #tpu.memory_space<vmem>>
        %dma_start3A_106 = arith.constant 0 : i32
        %dma_start3A_107 = arith.constant 0 : i32
        %dma_start3A_108 = tpu.memref_slice %arg14[%dma_start3A_106, %dma_start3A_107] : memref<10240x128xf32, #tpu.memory_space<vmem_shared>> -> memref<10240x128xf32, #tpu.memory_space<vmem_shared>>
        tpu.enqueue_indirect_dma source(%arg8 : memref<128x128xf32, #tpu.memory_space<vmem>>) target(%dma_start3A_108 : memref<10240x128xf32, #tpu.memory_space<vmem_shared>>) offsets(%dma_start3A_105 : memref<128xi32, #tpu.memory_space<vmem>>) semaphore(%arg12 : memref<!tpu.dma_semaphore, #tpu.memory_space<semaphore_mem>>) {add = true}
        %dma_wait3A_109 = arith.constant 0 : i32
        %dma_wait3A_110 = arith.constant 0 : i32
        %dma_wait3A_111 = tpu.memref_slice %arg6[%dma_wait3A_109, %dma_wait3A_110] : memref<16x128xi32, #tpu.memory_space<vmem>> -> memref<1x128xi32, #tpu.memory_space<vmem>>
        %dma_wait3A_112 = tpu.memref_squeeze %dma_wait3A_111 : memref<1x128xi32, #tpu.memory_space<vmem>> -> memref<128xi32, #tpu.memory_space<vmem>>
        %dma_wait3A_113 = arith.constant 0 : i32
        %dma_wait3A_114 = arith.constant 0 : i32
        %dma_wait3A_115 = tpu.memref_slice %arg2[%dma_wait3A_113, %dma_wait3A_114] : memref<10000x128xf32, #tpu.memory_space<hbm>> -> memref<10000x128xf32, #tpu.memory_space<hbm>>
        tpu.wait_indirect_dma semaphore(%arg11 : memref<!tpu.dma_semaphore, #tpu.memory_space<semaphore_mem>>) src(%dma_wait3A_115 : memref<10000x128xf32, #tpu.memory_space<hbm>>) dst(%arg9 : memref<128x128xf32, #tpu.memory_space<vmem>>)
        %add3A_116 = arith.constant 1 : i32
        %add3A_117 = arith.addi %mul3A_95, %add3A_116 : i32
        %dma_start3A_118 = arith.constant 0 : i32
        %dma_start3A_119 = tpu.memref_slice %arg7[%add3A_117, %dma_start3A_118] : memref<16x128xi32, #tpu.memory_space<vmem>> -> memref<1x128xi32, #tpu.memory_space<vmem>>
        %dma_start3A_120 = tpu.memref_squeeze %dma_start3A_119 : memref<1x128xi32, #tpu.memory_space<vmem>> -> memref<128xi32, #tpu.memory_space<vmem>>
        %dma_start3A_121 = arith.constant 0 : i32
        %dma_start3A_122 = arith.constant 0 : i32
        %dma_start3A_123 = tpu.memref_slice %arg14[%dma_start3A_121, %dma_start3A_122] : memref<10240x128xf32, #tpu.memory_space<vmem_shared>> -> memref<10240x128xf32, #tpu.memory_space<vmem_shared>>
        tpu.enqueue_indirect_dma source(%arg9 : memref<128x128xf32, #tpu.memory_space<vmem>>) target(%dma_start3A_123 : memref<10240x128xf32, #tpu.memory_space<vmem_shared>>) offsets(%dma_start3A_120 : memref<128xi32, #tpu.memory_space<vmem>>) semaphore(%arg13 : memref<!tpu.dma_semaphore, #tpu.memory_space<semaphore_mem>>) {add = true}
        %dma_wait3A_124 = arith.constant 0 : i32
        %dma_wait3A_125 = arith.constant 0 : i32
        %dma_wait3A_126 = tpu.memref_slice %arg6[%dma_wait3A_124, %dma_wait3A_125] : memref<16x128xi32, #tpu.memory_space<vmem>> -> memref<1x128xi32, #tpu.memory_space<vmem>>
        %dma_wait3A_127 = tpu.memref_squeeze %dma_wait3A_126 : memref<1x128xi32, #tpu.memory_space<vmem>> -> memref<128xi32, #tpu.memory_space<vmem>>
        %dma_wait3A_128 = arith.constant 0 : i32
        %dma_wait3A_129 = arith.constant 0 : i32
        %dma_wait3A_130 = tpu.memref_slice %arg2[%dma_wait3A_128, %dma_wait3A_129] : memref<10000x128xf32, #tpu.memory_space<hbm>> -> memref<10000x128xf32, #tpu.memory_space<hbm>>
        tpu.wait_indirect_dma semaphore(%arg12 : memref<!tpu.dma_semaphore, #tpu.memory_space<semaphore_mem>>) src(%dma_wait3A_130 : memref<10000x128xf32, #tpu.memory_space<hbm>>) dst(%arg8 : memref<128x128xf32, #tpu.memory_space<vmem>>)
        %add3A_131 = arith.constant 2 : i32
        %add3A_132 = arith.addi %mul3A_95, %add3A_131 : i32
        %dma_start3A_133 = arith.constant 0 : i32
        %dma_start3A_134 = tpu.memref_slice %arg6[%add3A_132, %dma_start3A_133] : memref<16x128xi32, #tpu.memory_space<vmem>> -> memref<1x128xi32, #tpu.memory_space<vmem>>
        %dma_start3A_135 = tpu.memref_squeeze %dma_start3A_134 : memref<1x128xi32, #tpu.memory_space<vmem>> -> memref<128xi32, #tpu.memory_space<vmem>>
        %dma_start3A_136 = arith.constant 0 : i32
        %dma_start3A_137 = arith.constant 0 : i32
        %dma_start3A_138 = tpu.memref_slice %arg2[%dma_start3A_136, %dma_start3A_137] : memref<10000x128xf32, #tpu.memory_space<hbm>> -> memref<10000x128xf32, #tpu.memory_space<hbm>>
        tpu.enqueue_indirect_dma source(%dma_start3A_138 : memref<10000x128xf32, #tpu.memory_space<hbm>>) target(%arg8 : memref<128x128xf32, #tpu.memory_space<vmem>>) offsets(%dma_start3A_135 : memref<128xi32, #tpu.memory_space<vmem>>) semaphore(%arg10 : memref<!tpu.dma_semaphore, #tpu.memory_space<semaphore_mem>>)
        %dma_wait3A_139 = arith.constant 0 : i32
        %dma_wait3A_140 = arith.constant 0 : i32
        %dma_wait3A_141 = tpu.memref_slice %arg6[%dma_wait3A_139, %dma_wait3A_140] : memref<16x128xi32, #tpu.memory_space<vmem>> -> memref<1x128xi32, #tpu.memory_space<vmem>>
        %dma_wait3A_142 = tpu.memref_squeeze %dma_wait3A_141 : memref<1x128xi32, #tpu.memory_space<vmem>> -> memref<128xi32, #tpu.memory_space<vmem>>
        %dma_wait3A_143 = arith.constant 0 : i32
        %dma_wait3A_144 = arith.constant 0 : i32
        %dma_wait3A_145 = tpu.memref_slice %arg2[%dma_wait3A_143, %dma_wait3A_144] : memref<10000x128xf32, #tpu.memory_space<hbm>> -> memref<10000x128xf32, #tpu.memory_space<hbm>>
        tpu.wait_indirect_dma semaphore(%arg13 : memref<!tpu.dma_semaphore, #tpu.memory_space<semaphore_mem>>) src(%dma_wait3A_145 : memref<10000x128xf32, #tpu.memory_space<hbm>>) dst(%arg9 : memref<128x128xf32, #tpu.memory_space<vmem>>)
        %add3A_146 = arith.constant 3 : i32
        %add3A_147 = arith.addi %mul3A_95, %add3A_146 : i32
        %dma_start3A_148 = arith.constant 0 : i32
        %dma_start3A_149 = tpu.memref_slice %arg6[%add3A_147, %dma_start3A_148] : memref<16x128xi32, #tpu.memory_space<vmem>> -> memref<1x128xi32, #tpu.memory_space<vmem>>
        %dma_start3A_150 = tpu.memref_squeeze %dma_start3A_149 : memref<1x128xi32, #tpu.memory_space<vmem>> -> memref<128xi32, #tpu.memory_space<vmem>>
        %dma_start3A_151 = arith.constant 0 : i32
        %dma_start3A_152 = arith.constant 0 : i32
        %dma_start3A_153 = tpu.memref_slice %arg2[%dma_start3A_151, %dma_start3A_152] : memref<10000x128xf32, #tpu.memory_space<hbm>> -> memref<10000x128xf32, #tpu.memory_space<hbm>>
        tpu.enqueue_indirect_dma source(%dma_start3A_153 : memref<10000x128xf32, #tpu.memory_space<hbm>>) target(%arg9 : memref<128x128xf32, #tpu.memory_space<vmem>>) offsets(%dma_start3A_150 : memref<128xi32, #tpu.memory_space<vmem>>) semaphore(%arg11 : memref<!tpu.dma_semaphore, #tpu.memory_space<semaphore_mem>>)
      }
      %scan3A_51 = arith.constant 7 : i32
      %dma_wait3A = arith.constant 0 : i32
      %dma_wait3A_52 = arith.constant 0 : i32
      %dma_wait3A_53 = tpu.memref_slice %arg6[%dma_wait3A, %dma_wait3A_52] : memref<16x128xi32, #tpu.memory_space<vmem>> -> memref<1x128xi32, #tpu.memory_space<vmem>>
      %dma_wait3A_54 = tpu.memref_squeeze %dma_wait3A_53 : memref<1x128xi32, #tpu.memory_space<vmem>> -> memref<128xi32, #tpu.memory_space<vmem>>
      %dma_wait3A_55 = arith.constant 0 : i32
      %dma_wait3A_56 = arith.constant 0 : i32
      %dma_wait3A_57 = tpu.memref_slice %arg2[%dma_wait3A_55, %dma_wait3A_56] : memref<10000x128xf32, #tpu.memory_space<hbm>> -> memref<10000x128xf32, #tpu.memory_space<hbm>>
      tpu.wait_indirect_dma semaphore(%arg10 : memref<!tpu.dma_semaphore, #tpu.memory_space<semaphore_mem>>) src(%dma_wait3A_57 : memref<10000x128xf32, #tpu.memory_space<hbm>>) dst(%arg8 : memref<128x128xf32, #tpu.memory_space<vmem>>)
      %dma_start3A_58 = arith.constant 14 : i32
      %dma_start3A_59 = arith.constant 0 : i32
      %dma_start3A_60 = tpu.memref_slice %arg7[%dma_start3A_58, %dma_start3A_59] : memref<16x128xi32, #tpu.memory_space<vmem>> -> memref<1x128xi32, #tpu.memory_space<vmem>>
      %dma_start3A_61 = tpu.memref_squeeze %dma_start3A_60 : memref<1x128xi32, #tpu.memory_space<vmem>> -> memref<128xi32, #tpu.memory_space<vmem>>
      %dma_start3A_62 = arith.constant 0 : i32
      %dma_start3A_63 = arith.constant 0 : i32
      %dma_start3A_64 = tpu.memref_slice %arg14[%dma_start3A_62, %dma_start3A_63] : memref<10240x128xf32, #tpu.memory_space<vmem_shared>> -> memref<10240x128xf32, #tpu.memory_space<vmem_shared>>
      tpu.enqueue_indirect_dma source(%arg8 : memref<128x128xf32, #tpu.memory_space<vmem>>) target(%dma_start3A_64 : memref<10240x128xf32, #tpu.memory_space<vmem_shared>>) offsets(%dma_start3A_61 : memref<128xi32, #tpu.memory_space<vmem>>) semaphore(%arg12 : memref<!tpu.dma_semaphore, #tpu.memory_space<semaphore_mem>>) {add = true}
      %dma_wait3A_65 = arith.constant 0 : i32
      %dma_wait3A_66 = arith.constant 0 : i32
      %dma_wait3A_67 = tpu.memref_slice %arg6[%dma_wait3A_65, %dma_wait3A_66] : memref<16x128xi32, #tpu.memory_space<vmem>> -> memref<1x128xi32, #tpu.memory_space<vmem>>
      %dma_wait3A_68 = tpu.memref_squeeze %dma_wait3A_67 : memref<1x128xi32, #tpu.memory_space<vmem>> -> memref<128xi32, #tpu.memory_space<vmem>>
      %dma_wait3A_69 = arith.constant 0 : i32
      %dma_wait3A_70 = arith.constant 0 : i32
      %dma_wait3A_71 = tpu.memref_slice %arg2[%dma_wait3A_69, %dma_wait3A_70] : memref<10000x128xf32, #tpu.memory_space<hbm>> -> memref<10000x128xf32, #tpu.memory_space<hbm>>
      tpu.wait_indirect_dma semaphore(%arg11 : memref<!tpu.dma_semaphore, #tpu.memory_space<semaphore_mem>>) src(%dma_wait3A_71 : memref<10000x128xf32, #tpu.memory_space<hbm>>) dst(%arg9 : memref<128x128xf32, #tpu.memory_space<vmem>>)
      %dma_start3A_72 = arith.constant 15 : i32
      %dma_start3A_73 = arith.constant 0 : i32
      %dma_start3A_74 = tpu.memref_slice %arg7[%dma_start3A_72, %dma_start3A_73] : memref<16x128xi32, #tpu.memory_space<vmem>> -> memref<1x128xi32, #tpu.memory_space<vmem>>
      %dma_start3A_75 = tpu.memref_squeeze %dma_start3A_74 : memref<1x128xi32, #tpu.memory_space<vmem>> -> memref<128xi32, #tpu.memory_space<vmem>>
      %dma_start3A_76 = arith.constant 0 : i32
      %dma_start3A_77 = arith.constant 0 : i32
      %dma_start3A_78 = tpu.memref_slice %arg14[%dma_start3A_76, %dma_start3A_77] : memref<10240x128xf32, #tpu.memory_space<vmem_shared>> -> memref<10240x128xf32, #tpu.memory_space<vmem_shared>>
      tpu.enqueue_indirect_dma source(%arg9 : memref<128x128xf32, #tpu.memory_space<vmem>>) target(%dma_start3A_78 : memref<10240x128xf32, #tpu.memory_space<vmem_shared>>) offsets(%dma_start3A_75 : memref<128xi32, #tpu.memory_space<vmem>>) semaphore(%arg13 : memref<!tpu.dma_semaphore, #tpu.memory_space<semaphore_mem>>) {add = true}
      %dma_wait3A_79 = arith.constant 0 : i32
      %dma_wait3A_80 = arith.constant 0 : i32
      %dma_wait3A_81 = tpu.memref_slice %arg6[%dma_wait3A_79, %dma_wait3A_80] : memref<16x128xi32, #tpu.memory_space<vmem>> -> memref<1x128xi32, #tpu.memory_space<vmem>>
      %dma_wait3A_82 = tpu.memref_squeeze %dma_wait3A_81 : memref<1x128xi32, #tpu.memory_space<vmem>> -> memref<128xi32, #tpu.memory_space<vmem>>
      %dma_wait3A_83 = arith.constant 0 : i32
      %dma_wait3A_84 = arith.constant 0 : i32
      %dma_wait3A_85 = tpu.memref_slice %arg2[%dma_wait3A_83, %dma_wait3A_84] : memref<10000x128xf32, #tpu.memory_space<hbm>> -> memref<10000x128xf32, #tpu.memory_space<hbm>>
      tpu.wait_indirect_dma semaphore(%arg12 : memref<!tpu.dma_semaphore, #tpu.memory_space<semaphore_mem>>) src(%dma_wait3A_85 : memref<10000x128xf32, #tpu.memory_space<hbm>>) dst(%arg8 : memref<128x128xf32, #tpu.memory_space<vmem>>)
      %dma_wait3A_86 = arith.constant 0 : i32
      %dma_wait3A_87 = arith.constant 0 : i32
      %dma_wait3A_88 = tpu.memref_slice %arg6[%dma_wait3A_86, %dma_wait3A_87] : memref<16x128xi32, #tpu.memory_space<vmem>> -> memref<1x128xi32, #tpu.memory_space<vmem>>
      %dma_wait3A_89 = tpu.memref_squeeze %dma_wait3A_88 : memref<1x128xi32, #tpu.memory_space<vmem>> -> memref<128xi32, #tpu.memory_space<vmem>>
      %dma_wait3A_90 = arith.constant 0 : i32
      %dma_wait3A_91 = arith.constant 0 : i32
      %dma_wait3A_92 = tpu.memref_slice %arg2[%dma_wait3A_90, %dma_wait3A_91] : memref<10000x128xf32, #tpu.memory_space<hbm>> -> memref<10000x128xf32, #tpu.memory_space<hbm>>
      tpu.wait_indirect_dma semaphore(%arg13 : memref<!tpu.dma_semaphore, #tpu.memory_space<semaphore_mem>>) src(%dma_wait3A_92 : memref<10000x128xf32, #tpu.memory_space<hbm>>) dst(%arg9 : memref<128x128xf32, #tpu.memory_space<vmem>>)
    }
    %while3A_20 = arith.constant 1 : i32
    scf.for %while3A_26 = %while3A_18 to %while3A_14 step %while3A_20  : i32 {
      %mul3A_27 = arith.constant 16 : i32
      %mul3A_28 = arith.muli %while3A_26, %mul3A_27 : i32
      %add3A_29 = arith.addi %select_n3A, %mul3A_28 : i32
      %run_scoped3A = arith.constant 0 : i32
      "tpu.region"() ({
        %run_scoped3A_93 = tpu.sem_alloc : memref<!tpu.dma_semaphore, #tpu.memory_space<semaphore_mem>>
        %dma_start3A_94 = arith.constant 0 : i32
        %dma_start3A_95 = arith.constant 0 : i32
        %dma_start3A_96 = tpu.memref_slice %arg3[%run_scoped3A, %dma_start3A_94, %dma_start3A_95] : memref<2x5120x128xi32, #tpu.memory_space<hbm>> -> memref<1x5120x128xi32, #tpu.memory_space<hbm>>
        %dma_start3A_97 = tpu.memref_squeeze %dma_start3A_96 : memref<1x5120x128xi32, #tpu.memory_space<hbm>> -> memref<5120x128xi32, #tpu.memory_space<hbm>>
        %dma_start3A_98 = arith.constant 0 : i32
        %dma_start3A_99 = tpu.memref_slice %dma_start3A_97[%add3A_29, %dma_start3A_98] : memref<5120x128xi32, #tpu.memory_space<hbm>> -> memref<16x128xi32, #tpu.memory_space<hbm>>
        %dma_start3A_100 = arith.constant 0 : i32
        %dma_start3A_101 = arith.constant 0 : i32
        %dma_start3A_102 = tpu.memref_slice %arg3[%run_scoped3A, %dma_start3A_100, %dma_start3A_101] : memref<2x5120x128xi32, #tpu.memory_space<hbm>> -> memref<1x5120x128xi32, #tpu.memory_space<hbm>>
        %dma_start3A_103 = tpu.memref_squeeze %dma_start3A_102 : memref<1x5120x128xi32, #tpu.memory_space<hbm>> -> memref<5120x128xi32, #tpu.memory_space<hbm>>
        %dma_start3A_104 = arith.constant 0 : i32
        %dma_start3A_105 = tpu.memref_slice %dma_start3A_103[%add3A_29, %dma_start3A_104] : memref<5120x128xi32, #tpu.memory_space<hbm>> -> memref<16x128xi32, #tpu.memory_space<hbm>>
        tpu.enqueue_dma source(%dma_start3A_105 : memref<16x128xi32, #tpu.memory_space<hbm>>) target(%arg6 : memref<16x128xi32, #tpu.memory_space<vmem>>) target_semaphore(%run_scoped3A_93 : memref<!tpu.dma_semaphore, #tpu.memory_space<semaphore_mem>>)
        %dma_wait3A_106 = arith.constant 0 : i32
        %dma_wait3A_107 = arith.constant 0 : i32
        %dma_wait3A_108 = tpu.memref_slice %arg3[%run_scoped3A, %dma_wait3A_106, %dma_wait3A_107] : memref<2x5120x128xi32, #tpu.memory_space<hbm>> -> memref<1x5120x128xi32, #tpu.memory_space<hbm>>
        %dma_wait3A_109 = tpu.memref_squeeze %dma_wait3A_108 : memref<1x5120x128xi32, #tpu.memory_space<hbm>> -> memref<5120x128xi32, #tpu.memory_space<hbm>>
        %dma_wait3A_110 = arith.constant 0 : i32
        %dma_wait3A_111 = tpu.memref_slice %dma_wait3A_109[%add3A_29, %dma_wait3A_110] : memref<5120x128xi32, #tpu.memory_space<hbm>> -> memref<16x128xi32, #tpu.memory_space<hbm>>
        %dma_wait3A_112 = arith.constant 0 : i32
        %dma_wait3A_113 = arith.constant 0 : i32
        %dma_wait3A_114 = tpu.memref_slice %arg3[%run_scoped3A, %dma_wait3A_112, %dma_wait3A_113] : memref<2x5120x128xi32, #tpu.memory_space<hbm>> -> memref<1x5120x128xi32, #tpu.memory_space<hbm>>
        %dma_wait3A_115 = tpu.memref_squeeze %dma_wait3A_114 : memref<1x5120x128xi32, #tpu.memory_space<hbm>> -> memref<5120x128xi32, #tpu.memory_space<hbm>>
        %dma_wait3A_116 = arith.constant 0 : i32
        %dma_wait3A_117 = tpu.memref_slice %dma_wait3A_115[%add3A_29, %dma_wait3A_116] : memref<5120x128xi32, #tpu.memory_space<hbm>> -> memref<16x128xi32, #tpu.memory_space<hbm>>
        tpu.wait_dma2 semaphore(%run_scoped3A_93 : memref<!tpu.dma_semaphore, #tpu.memory_space<semaphore_mem>>) src(%dma_wait3A_117 : memref<16x128xi32, #tpu.memory_space<hbm>>) dst(%arg6 : memref<16x128xi32, #tpu.memory_space<vmem>>)
        tpu.yield
      }) : () -> ()
      %mul3A_30 = arith.constant 16 : i32
      %mul3A_31 = arith.muli %while3A_26, %mul3A_30 : i32
      %add3A_32 = arith.addi %select_n3A, %mul3A_31 : i32
      %run_scoped3A_33 = arith.constant 1 : i32
      "tpu.region"() ({
        %run_scoped3A_93 = tpu.sem_alloc : memref<!tpu.dma_semaphore, #tpu.memory_space<semaphore_mem>>
        %dma_start3A_94 = arith.constant 0 : i32
        %dma_start3A_95 = arith.constant 0 : i32
        %dma_start3A_96 = tpu.memref_slice %arg3[%run_scoped3A_33, %dma_start3A_94, %dma_start3A_95] : memref<2x5120x128xi32, #tpu.memory_space<hbm>> -> memref<1x5120x128xi32, #tpu.memory_space<hbm>>
        %dma_start3A_97 = tpu.memref_squeeze %dma_start3A_96 : memref<1x5120x128xi32, #tpu.memory_space<hbm>> -> memref<5120x128xi32, #tpu.memory_space<hbm>>
        %dma_start3A_98 = arith.constant 0 : i32
        %dma_start3A_99 = tpu.memref_slice %dma_start3A_97[%add3A_32, %dma_start3A_98] : memref<5120x128xi32, #tpu.memory_space<hbm>> -> memref<16x128xi32, #tpu.memory_space<hbm>>
        %dma_start3A_100 = arith.constant 0 : i32
        %dma_start3A_101 = arith.constant 0 : i32
        %dma_start3A_102 = tpu.memref_slice %arg3[%run_scoped3A_33, %dma_start3A_100, %dma_start3A_101] : memref<2x5120x128xi32, #tpu.memory_space<hbm>> -> memref<1x5120x128xi32, #tpu.memory_space<hbm>>
        %dma_start3A_103 = tpu.memref_squeeze %dma_start3A_102 : memref<1x5120x128xi32, #tpu.memory_space<hbm>> -> memref<5120x128xi32, #tpu.memory_space<hbm>>
        %dma_start3A_104 = arith.constant 0 : i32
        %dma_start3A_105 = tpu.memref_slice %dma_start3A_103[%add3A_32, %dma_start3A_104] : memref<5120x128xi32, #tpu.memory_space<hbm>> -> memref<16x128xi32, #tpu.memory_space<hbm>>
        tpu.enqueue_dma source(%dma_start3A_105 : memref<16x128xi32, #tpu.memory_space<hbm>>) target(%arg7 : memref<16x128xi32, #tpu.memory_space<vmem>>) target_semaphore(%run_scoped3A_93 : memref<!tpu.dma_semaphore, #tpu.memory_space<semaphore_mem>>)
        %dma_wait3A_106 = arith.constant 0 : i32
        %dma_wait3A_107 = arith.constant 0 : i32
        %dma_wait3A_108 = tpu.memref_slice %arg3[%run_scoped3A_33, %dma_wait3A_106, %dma_wait3A_107] : memref<2x5120x128xi32, #tpu.memory_space<hbm>> -> memref<1x5120x128xi32, #tpu.memory_space<hbm>>
        %dma_wait3A_109 = tpu.memref_squeeze %dma_wait3A_108 : memref<1x5120x128xi32, #tpu.memory_space<hbm>> -> memref<5120x128xi32, #tpu.memory_space<hbm>>
        %dma_wait3A_110 = arith.constant 0 : i32
        %dma_wait3A_111 = tpu.memref_slice %dma_wait3A_109[%add3A_32, %dma_wait3A_110] : memref<5120x128xi32, #tpu.memory_space<hbm>> -> memref<16x128xi32, #tpu.memory_space<hbm>>
        %dma_wait3A_112 = arith.constant 0 : i32
        %dma_wait3A_113 = arith.constant 0 : i32
        %dma_wait3A_114 = tpu.memref_slice %arg3[%run_scoped3A_33, %dma_wait3A_112, %dma_wait3A_113] : memref<2x5120x128xi32, #tpu.memory_space<hbm>> -> memref<1x5120x128xi32, #tpu.memory_space<hbm>>
        %dma_wait3A_115 = tpu.memref_squeeze %dma_wait3A_114 : memref<1x5120x128xi32, #tpu.memory_space<hbm>> -> memref<5120x128xi32, #tpu.memory_space<hbm>>
        %dma_wait3A_116 = arith.constant 0 : i32
        %dma_wait3A_117 = tpu.memref_slice %dma_wait3A_115[%add3A_32, %dma_wait3A_116] : memref<5120x128xi32, #tpu.memory_space<hbm>> -> memref<16x128xi32, #tpu.memory_space<hbm>>
        tpu.wait_dma2 semaphore(%run_scoped3A_93 : memref<!tpu.dma_semaphore, #tpu.memory_space<semaphore_mem>>) src(%dma_wait3A_117 : memref<16x128xi32, #tpu.memory_space<hbm>>) dst(%arg7 : memref<16x128xi32, #tpu.memory_space<vmem>>)
        tpu.yield
      }) : () -> ()
      %dma_start3A = arith.constant 0 : i32
      %dma_start3A_34 = arith.constant 0 : i32
      %dma_start3A_35 = tpu.memref_slice %arg6[%dma_start3A, %dma_start3A_34] : memref<16x128xi32, #tpu.memory_space<vmem>> -> memref<1x128xi32, #tpu.memory_space<vmem>>
      %dma_start3A_36 = tpu.memref_squeeze %dma_start3A_35 : memref<1x128xi32, #tpu.memory_space<vmem>> -> memref<128xi32, #tpu.memory_space<vmem>>
      %dma_start3A_37 = arith.constant 0 : i32
      %dma_start3A_38 = arith.constant 0 : i32
      %dma_start3A_39 = tpu.memref_slice %arg2[%dma_start3A_37, %dma_start3A_38] : memref<10000x128xf32, #tpu.memory_space<hbm>> -> memref<10000x128xf32, #tpu.memory_space<hbm>>
      tpu.enqueue_indirect_dma source(%dma_start3A_39 : memref<10000x128xf32, #tpu.memory_space<hbm>>) target(%arg8 : memref<128x128xf32, #tpu.memory_space<vmem>>) offsets(%dma_start3A_36 : memref<128xi32, #tpu.memory_space<vmem>>) semaphore(%arg10 : memref<!tpu.dma_semaphore, #tpu.memory_space<semaphore_mem>>)
      %dma_start3A_40 = arith.constant 1 : i32
      %dma_start3A_41 = arith.constant 0 : i32
      %dma_start3A_42 = tpu.memref_slice %arg6[%dma_start3A_40, %dma_start3A_41] : memref<16x128xi32, #tpu.memory_space<vmem>> -> memref<1x128xi32, #tpu.memory_space<vmem>>
      %dma_start3A_43 = tpu.memref_squeeze %dma_start3A_42 : memref<1x128xi32, #tpu.memory_space<vmem>> -> memref<128xi32, #tpu.memory_space<vmem>>
      %dma_start3A_44 = arith.constant 0 : i32
      %dma_start3A_45 = arith.constant 0 : i32
      %dma_start3A_46 = tpu.memref_slice %arg2[%dma_start3A_44, %dma_start3A_45] : memref<10000x128xf32, #tpu.memory_space<hbm>> -> memref<10000x128xf32, #tpu.memory_space<hbm>>
      tpu.enqueue_indirect_dma source(%dma_start3A_46 : memref<10000x128xf32, #tpu.memory_space<hbm>>) target(%arg9 : memref<128x128xf32, #tpu.memory_space<vmem>>) offsets(%dma_start3A_43 : memref<128xi32, #tpu.memory_space<vmem>>) semaphore(%arg11 : memref<!tpu.dma_semaphore, #tpu.memory_space<semaphore_mem>>)
      %scan3A = arith.constant 0 : i32
      %scan3A_47 = arith.constant 0 : i32
      %scan3A_48 = arith.constant 7 : i32
      %scan3A_49 = arith.addi %scan3A_47, %scan3A_48 : i32
      %scan3A_50 = arith.constant 1 : i32
      scf.for %scan3A_93 = %scan3A_47 to %scan3A_49 step %scan3A_50  : i32 {
        %mul3A_94 = arith.constant 2 : i32
        %mul3A_95 = arith.muli %mul3A_94, %scan3A_93 : i32
        %dma_wait3A_96 = arith.constant 0 : i32
        %dma_wait3A_97 = arith.constant 0 : i32
        %dma_wait3A_98 = tpu.memref_slice %arg6[%dma_wait3A_96, %dma_wait3A_97] : memref<16x128xi32, #tpu.memory_space<vmem>> -> memref<1x128xi32, #tpu.memory_space<vmem>>
        %dma_wait3A_99 = tpu.memref_squeeze %dma_wait3A_98 : memref<1x128xi32, #tpu.memory_space<vmem>> -> memref<128xi32, #tpu.memory_space<vmem>>
        %dma_wait3A_100 = arith.constant 0 : i32
        %dma_wait3A_101 = arith.constant 0 : i32
        %dma_wait3A_102 = tpu.memref_slice %arg2[%dma_wait3A_100, %dma_wait3A_101] : memref<10000x128xf32, #tpu.memory_space<hbm>> -> memref<10000x128xf32, #tpu.memory_space<hbm>>
        tpu.wait_indirect_dma semaphore(%arg10 : memref<!tpu.dma_semaphore, #tpu.memory_space<semaphore_mem>>) src(%dma_wait3A_102 : memref<10000x128xf32, #tpu.memory_space<hbm>>) dst(%arg8 : memref<128x128xf32, #tpu.memory_space<vmem>>)
        %dma_start3A_103 = arith.constant 0 : i32
        %dma_start3A_104 = tpu.memref_slice %arg7[%mul3A_95, %dma_start3A_103] : memref<16x128xi32, #tpu.memory_space<vmem>> -> memref<1x128xi32, #tpu.memory_space<vmem>>
        %dma_start3A_105 = tpu.memref_squeeze %dma_start3A_104 : memref<1x128xi32, #tpu.memory_space<vmem>> -> memref<128xi32, #tpu.memory_space<vmem>>
        %dma_start3A_106 = arith.constant 0 : i32
        %dma_start3A_107 = arith.constant 0 : i32
        %dma_start3A_108 = tpu.memref_slice %arg14[%dma_start3A_106, %dma_start3A_107] : memref<10240x128xf32, #tpu.memory_space<vmem_shared>> -> memref<10240x128xf32, #tpu.memory_space<vmem_shared>>
        tpu.enqueue_indirect_dma source(%arg8 : memref<128x128xf32, #tpu.memory_space<vmem>>) target(%dma_start3A_108 : memref<10240x128xf32, #tpu.memory_space<vmem_shared>>) offsets(%dma_start3A_105 : memref<128xi32, #tpu.memory_space<vmem>>) semaphore(%arg12 : memref<!tpu.dma_semaphore, #tpu.memory_space<semaphore_mem>>) {add = true}
        %dma_wait3A_109 = arith.constant 0 : i32
        %dma_wait3A_110 = arith.constant 0 : i32
        %dma_wait3A_111 = tpu.memref_slice %arg6[%dma_wait3A_109, %dma_wait3A_110] : memref<16x128xi32, #tpu.memory_space<vmem>> -> memref<1x128xi32, #tpu.memory_space<vmem>>
        %dma_wait3A_112 = tpu.memref_squeeze %dma_wait3A_111 : memref<1x128xi32, #tpu.memory_space<vmem>> -> memref<128xi32, #tpu.memory_space<vmem>>
        %dma_wait3A_113 = arith.constant 0 : i32
        %dma_wait3A_114 = arith.constant 0 : i32
        %dma_wait3A_115 = tpu.memref_slice %arg2[%dma_wait3A_113, %dma_wait3A_114] : memref<10000x128xf32, #tpu.memory_space<hbm>> -> memref<10000x128xf32, #tpu.memory_space<hbm>>
        tpu.wait_indirect_dma semaphore(%arg11 : memref<!tpu.dma_semaphore, #tpu.memory_space<semaphore_mem>>) src(%dma_wait3A_115 : memref<10000x128xf32, #tpu.memory_space<hbm>>) dst(%arg9 : memref<128x128xf32, #tpu.memory_space<vmem>>)
        %add3A_116 = arith.constant 1 : i32
        %add3A_117 = arith.addi %mul3A_95, %add3A_116 : i32
        %dma_start3A_118 = arith.constant 0 : i32
        %dma_start3A_119 = tpu.memref_slice %arg7[%add3A_117, %dma_start3A_118] : memref<16x128xi32, #tpu.memory_space<vmem>> -> memref<1x128xi32, #tpu.memory_space<vmem>>
        %dma_start3A_120 = tpu.memref_squeeze %dma_start3A_119 : memref<1x128xi32, #tpu.memory_space<vmem>> -> memref<128xi32, #tpu.memory_space<vmem>>
        %dma_start3A_121 = arith.constant 0 : i32
        %dma_start3A_122 = arith.constant 0 : i32
        %dma_start3A_123 = tpu.memref_slice %arg14[%dma_start3A_121, %dma_start3A_122] : memref<10240x128xf32, #tpu.memory_space<vmem_shared>> -> memref<10240x128xf32, #tpu.memory_space<vmem_shared>>
        tpu.enqueue_indirect_dma source(%arg9 : memref<128x128xf32, #tpu.memory_space<vmem>>) target(%dma_start3A_123 : memref<10240x128xf32, #tpu.memory_space<vmem_shared>>) offsets(%dma_start3A_120 : memref<128xi32, #tpu.memory_space<vmem>>) semaphore(%arg13 : memref<!tpu.dma_semaphore, #tpu.memory_space<semaphore_mem>>) {add = true}
        %dma_wait3A_124 = arith.constant 0 : i32
        %dma_wait3A_125 = arith.constant 0 : i32
        %dma_wait3A_126 = tpu.memref_slice %arg6[%dma_wait3A_124, %dma_wait3A_125] : memref<16x128xi32, #tpu.memory_space<vmem>> -> memref<1x128xi32, #tpu.memory_space<vmem>>
        %dma_wait3A_127 = tpu.memref_squeeze %dma_wait3A_126 : memref<1x128xi32, #tpu.memory_space<vmem>> -> memref<128xi32, #tpu.memory_space<vmem>>
        %dma_wait3A_128 = arith.constant 0 : i32
        %dma_wait3A_129 = arith.constant 0 : i32
        %dma_wait3A_130 = tpu.memref_slice %arg2[%dma_wait3A_128, %dma_wait3A_129] : memref<10000x128xf32, #tpu.memory_space<hbm>> -> memref<10000x128xf32, #tpu.memory_space<hbm>>
        tpu.wait_indirect_dma semaphore(%arg12 : memref<!tpu.dma_semaphore, #tpu.memory_space<semaphore_mem>>) src(%dma_wait3A_130 : memref<10000x128xf32, #tpu.memory_space<hbm>>) dst(%arg8 : memref<128x128xf32, #tpu.memory_space<vmem>>)
        %add3A_131 = arith.constant 2 : i32
        %add3A_132 = arith.addi %mul3A_95, %add3A_131 : i32
        %dma_start3A_133 = arith.constant 0 : i32
        %dma_start3A_134 = tpu.memref_slice %arg6[%add3A_132, %dma_start3A_133] : memref<16x128xi32, #tpu.memory_space<vmem>> -> memref<1x128xi32, #tpu.memory_space<vmem>>
        %dma_start3A_135 = tpu.memref_squeeze %dma_start3A_134 : memref<1x128xi32, #tpu.memory_space<vmem>> -> memref<128xi32, #tpu.memory_space<vmem>>
        %dma_start3A_136 = arith.constant 0 : i32
        %dma_start3A_137 = arith.constant 0 : i32
        %dma_start3A_138 = tpu.memref_slice %arg2[%dma_start3A_136, %dma_start3A_137] : memref<10000x128xf32, #tpu.memory_space<hbm>> -> memref<10000x128xf32, #tpu.memory_space<hbm>>
        tpu.enqueue_indirect_dma source(%dma_start3A_138 : memref<10000x128xf32, #tpu.memory_space<hbm>>) target(%arg8 : memref<128x128xf32, #tpu.memory_space<vmem>>) offsets(%dma_start3A_135 : memref<128xi32, #tpu.memory_space<vmem>>) semaphore(%arg10 : memref<!tpu.dma_semaphore, #tpu.memory_space<semaphore_mem>>)
        %dma_wait3A_139 = arith.constant 0 : i32
        %dma_wait3A_140 = arith.constant 0 : i32
        %dma_wait3A_141 = tpu.memref_slice %arg6[%dma_wait3A_139, %dma_wait3A_140] : memref<16x128xi32, #tpu.memory_space<vmem>> -> memref<1x128xi32, #tpu.memory_space<vmem>>
        %dma_wait3A_142 = tpu.memref_squeeze %dma_wait3A_141 : memref<1x128xi32, #tpu.memory_space<vmem>> -> memref<128xi32, #tpu.memory_space<vmem>>
        %dma_wait3A_143 = arith.constant 0 : i32
        %dma_wait3A_144 = arith.constant 0 : i32
        %dma_wait3A_145 = tpu.memref_slice %arg2[%dma_wait3A_143, %dma_wait3A_144] : memref<10000x128xf32, #tpu.memory_space<hbm>> -> memref<10000x128xf32, #tpu.memory_space<hbm>>
        tpu.wait_indirect_dma semaphore(%arg13 : memref<!tpu.dma_semaphore, #tpu.memory_space<semaphore_mem>>) src(%dma_wait3A_145 : memref<10000x128xf32, #tpu.memory_space<hbm>>) dst(%arg9 : memref<128x128xf32, #tpu.memory_space<vmem>>)
        %add3A_146 = arith.constant 3 : i32
        %add3A_147 = arith.addi %mul3A_95, %add3A_146 : i32
        %dma_start3A_148 = arith.constant 0 : i32
        %dma_start3A_149 = tpu.memref_slice %arg6[%add3A_147, %dma_start3A_148] : memref<16x128xi32, #tpu.memory_space<vmem>> -> memref<1x128xi32, #tpu.memory_space<vmem>>
        %dma_start3A_150 = tpu.memref_squeeze %dma_start3A_149 : memref<1x128xi32, #tpu.memory_space<vmem>> -> memref<128xi32, #tpu.memory_space<vmem>>
        %dma_start3A_151 = arith.constant 0 : i32
        %dma_start3A_152 = arith.constant 0 : i32
        %dma_start3A_153 = tpu.memref_slice %arg2[%dma_start3A_151, %dma_start3A_152] : memref<10000x128xf32, #tpu.memory_space<hbm>> -> memref<10000x128xf32, #tpu.memory_space<hbm>>
        tpu.enqueue_indirect_dma source(%dma_start3A_153 : memref<10000x128xf32, #tpu.memory_space<hbm>>) target(%arg9 : memref<128x128xf32, #tpu.memory_space<vmem>>) offsets(%dma_start3A_150 : memref<128xi32, #tpu.memory_space<vmem>>) semaphore(%arg11 : memref<!tpu.dma_semaphore, #tpu.memory_space<semaphore_mem>>)
      }
      %scan3A_51 = arith.constant 7 : i32
      %dma_wait3A = arith.constant 0 : i32
      %dma_wait3A_52 = arith.constant 0 : i32
      %dma_wait3A_53 = tpu.memref_slice %arg6[%dma_wait3A, %dma_wait3A_52] : memref<16x128xi32, #tpu.memory_space<vmem>> -> memref<1x128xi32, #tpu.memory_space<vmem>>
      %dma_wait3A_54 = tpu.memref_squeeze %dma_wait3A_53 : memref<1x128xi32, #tpu.memory_space<vmem>> -> memref<128xi32, #tpu.memory_space<vmem>>
      %dma_wait3A_55 = arith.constant 0 : i32
      %dma_wait3A_56 = arith.constant 0 : i32
      %dma_wait3A_57 = tpu.memref_slice %arg2[%dma_wait3A_55, %dma_wait3A_56] : memref<10000x128xf32, #tpu.memory_space<hbm>> -> memref<10000x128xf32, #tpu.memory_space<hbm>>
      tpu.wait_indirect_dma semaphore(%arg10 : memref<!tpu.dma_semaphore, #tpu.memory_space<semaphore_mem>>) src(%dma_wait3A_57 : memref<10000x128xf32, #tpu.memory_space<hbm>>) dst(%arg8 : memref<128x128xf32, #tpu.memory_space<vmem>>)
      %dma_start3A_58 = arith.constant 14 : i32
      %dma_start3A_59 = arith.constant 0 : i32
      %dma_start3A_60 = tpu.memref_slice %arg7[%dma_start3A_58, %dma_start3A_59] : memref<16x128xi32, #tpu.memory_space<vmem>> -> memref<1x128xi32, #tpu.memory_space<vmem>>
      %dma_start3A_61 = tpu.memref_squeeze %dma_start3A_60 : memref<1x128xi32, #tpu.memory_space<vmem>> -> memref<128xi32, #tpu.memory_space<vmem>>
      %dma_start3A_62 = arith.constant 0 : i32
      %dma_start3A_63 = arith.constant 0 : i32
      %dma_start3A_64 = tpu.memref_slice %arg14[%dma_start3A_62, %dma_start3A_63] : memref<10240x128xf32, #tpu.memory_space<vmem_shared>> -> memref<10240x128xf32, #tpu.memory_space<vmem_shared>>
      tpu.enqueue_indirect_dma source(%arg8 : memref<128x128xf32, #tpu.memory_space<vmem>>) target(%dma_start3A_64 : memref<10240x128xf32, #tpu.memory_space<vmem_shared>>) offsets(%dma_start3A_61 : memref<128xi32, #tpu.memory_space<vmem>>) semaphore(%arg12 : memref<!tpu.dma_semaphore, #tpu.memory_space<semaphore_mem>>) {add = true}
      %dma_wait3A_65 = arith.constant 0 : i32
      %dma_wait3A_66 = arith.constant 0 : i32
      %dma_wait3A_67 = tpu.memref_slice %arg6[%dma_wait3A_65, %dma_wait3A_66] : memref<16x128xi32, #tpu.memory_space<vmem>> -> memref<1x128xi32, #tpu.memory_space<vmem>>
      %dma_wait3A_68 = tpu.memref_squeeze %dma_wait3A_67 : memref<1x128xi32, #tpu.memory_space<vmem>> -> memref<128xi32, #tpu.memory_space<vmem>>
      %dma_wait3A_69 = arith.constant 0 : i32
      %dma_wait3A_70 = arith.constant 0 : i32
      %dma_wait3A_71 = tpu.memref_slice %arg2[%dma_wait3A_69, %dma_wait3A_70] : memref<10000x128xf32, #tpu.memory_space<hbm>> -> memref<10000x128xf32, #tpu.memory_space<hbm>>
      tpu.wait_indirect_dma semaphore(%arg11 : memref<!tpu.dma_semaphore, #tpu.memory_space<semaphore_mem>>) src(%dma_wait3A_71 : memref<10000x128xf32, #tpu.memory_space<hbm>>) dst(%arg9 : memref<128x128xf32, #tpu.memory_space<vmem>>)
      %dma_start3A_72 = arith.constant 15 : i32
      %dma_start3A_73 = arith.constant 0 : i32
      %dma_start3A_74 = tpu.memref_slice %arg7[%dma_start3A_72, %dma_start3A_73] : memref<16x128xi32, #tpu.memory_space<vmem>> -> memref<1x128xi32, #tpu.memory_space<vmem>>
      %dma_start3A_75 = tpu.memref_squeeze %dma_start3A_74 : memref<1x128xi32, #tpu.memory_space<vmem>> -> memref<128xi32, #tpu.memory_space<vmem>>
      %dma_start3A_76 = arith.constant 0 : i32
      %dma_start3A_77 = arith.constant 0 : i32
      %dma_start3A_78 = tpu.memref_slice %arg14[%dma_start3A_76, %dma_start3A_77] : memref<10240x128xf32, #tpu.memory_space<vmem_shared>> -> memref<10240x128xf32, #tpu.memory_space<vmem_shared>>
      tpu.enqueue_indirect_dma source(%arg9 : memref<128x128xf32, #tpu.memory_space<vmem>>) target(%dma_start3A_78 : memref<10240x128xf32, #tpu.memory_space<vmem_shared>>) offsets(%dma_start3A_75 : memref<128xi32, #tpu.memory_space<vmem>>) semaphore(%arg13 : memref<!tpu.dma_semaphore, #tpu.memory_space<semaphore_mem>>) {add = true}
      %dma_wait3A_79 = arith.constant 0 : i32
      %dma_wait3A_80 = arith.constant 0 : i32
      %dma_wait3A_81 = tpu.memref_slice %arg6[%dma_wait3A_79, %dma_wait3A_80] : memref<16x128xi32, #tpu.memory_space<vmem>> -> memref<1x128xi32, #tpu.memory_space<vmem>>
      %dma_wait3A_82 = tpu.memref_squeeze %dma_wait3A_81 : memref<1x128xi32, #tpu.memory_space<vmem>> -> memref<128xi32, #tpu.memory_space<vmem>>
      %dma_wait3A_83 = arith.constant 0 : i32
      %dma_wait3A_84 = arith.constant 0 : i32
      %dma_wait3A_85 = tpu.memref_slice %arg2[%dma_wait3A_83, %dma_wait3A_84] : memref<10000x128xf32, #tpu.memory_space<hbm>> -> memref<10000x128xf32, #tpu.memory_space<hbm>>
      tpu.wait_indirect_dma semaphore(%arg12 : memref<!tpu.dma_semaphore, #tpu.memory_space<semaphore_mem>>) src(%dma_wait3A_85 : memref<10000x128xf32, #tpu.memory_space<hbm>>) dst(%arg8 : memref<128x128xf32, #tpu.memory_space<vmem>>)
      %dma_wait3A_86 = arith.constant 0 : i32
      %dma_wait3A_87 = arith.constant 0 : i32
      %dma_wait3A_88 = tpu.memref_slice %arg6[%dma_wait3A_86, %dma_wait3A_87] : memref<16x128xi32, #tpu.memory_space<vmem>> -> memref<1x128xi32, #tpu.memory_space<vmem>>
      %dma_wait3A_89 = tpu.memref_squeeze %dma_wait3A_88 : memref<1x128xi32, #tpu.memory_space<vmem>> -> memref<128xi32, #tpu.memory_space<vmem>>
      %dma_wait3A_90 = arith.constant 0 : i32
      %dma_wait3A_91 = arith.constant 0 : i32
      %dma_wait3A_92 = tpu.memref_slice %arg2[%dma_wait3A_90, %dma_wait3A_91] : memref<10000x128xf32, #tpu.memory_space<hbm>> -> memref<10000x128xf32, #tpu.memory_space<hbm>>
      tpu.wait_indirect_dma semaphore(%arg13 : memref<!tpu.dma_semaphore, #tpu.memory_space<semaphore_mem>>) src(%dma_wait3A_92 : memref<10000x128xf32, #tpu.memory_space<hbm>>) dst(%arg9 : memref<128x128xf32, #tpu.memory_space<vmem>>)
    }
    %barrier3A_21 = arith.constant 0 : index
    tpu.barrier barrier_id(%barrier3A_21)
    %mul3A_22 = arith.constant 640 : i32
    %mul3A_23 = arith.muli %arg1, %mul3A_22 : i32
    %mul3A_24 = arith.constant 640 : i32
    %mul3A_25 = arith.muli %arg1, %mul3A_24 : i32
    "tpu.region"() ({
      %run_scoped3A = tpu.sem_alloc : memref<!tpu.dma_semaphore, #tpu.memory_space<semaphore_mem>>
      %dma_start3A = arith.constant 0 : i32
      %dma_start3A_26 = arith.constant 0 : i32
      %dma_start3A_27 = tpu.memref_slice %arg5[%arg0, %dma_start3A, %dma_start3A_26] : memref<2x10240x128xf32, #tpu.memory_space<hbm>> -> memref<1x10240x128xf32, #tpu.memory_space<hbm>>
      %dma_start3A_28 = tpu.memref_squeeze %dma_start3A_27 : memref<1x10240x128xf32, #tpu.memory_space<hbm>> -> memref<10240x128xf32, #tpu.memory_space<hbm>>
      %dma_start3A_29 = arith.constant 0 : i32
      %dma_start3A_30 = tpu.memref_slice %dma_start3A_28[%mul3A_25, %dma_start3A_29] : memref<10240x128xf32, #tpu.memory_space<hbm>> -> memref<640x128xf32, #tpu.memory_space<hbm>>
      %dma_start3A_31 = arith.constant 0 : i32
      %dma_start3A_32 = tpu.memref_slice %arg14[%mul3A_23, %dma_start3A_31] : memref<10240x128xf32, #tpu.memory_space<vmem_shared>> -> memref<640x128xf32, #tpu.memory_space<vmem_shared>>
      tpu.enqueue_dma source(%dma_start3A_32 : memref<640x128xf32, #tpu.memory_space<vmem_shared>>) target(%dma_start3A_30 : memref<640x128xf32, #tpu.memory_space<hbm>>) target_semaphore(%run_scoped3A : memref<!tpu.dma_semaphore, #tpu.memory_space<semaphore_mem>>)
      %dma_wait3A = arith.constant 0 : i32
      %dma_wait3A_33 = arith.constant 0 : i32
      %dma_wait3A_34 = tpu.memref_slice %arg5[%arg0, %dma_wait3A, %dma_wait3A_33] : memref<2x10240x128xf32, #tpu.memory_space<hbm>> -> memref<1x10240x128xf32, #tpu.memory_space<hbm>>
      %dma_wait3A_35 = tpu.memref_squeeze %dma_wait3A_34 : memref<1x10240x128xf32, #tpu.memory_space<hbm>> -> memref<10240x128xf32, #tpu.memory_space<hbm>>
      %dma_wait3A_36 = arith.constant 0 : i32
      %dma_wait3A_37 = tpu.memref_slice %dma_wait3A_35[%mul3A_25, %dma_wait3A_36] : memref<10240x128xf32, #tpu.memory_space<hbm>> -> memref<640x128xf32, #tpu.memory_space<hbm>>
      %dma_wait3A_38 = arith.constant 0 : i32
      %dma_wait3A_39 = tpu.memref_slice %arg14[%mul3A_23, %dma_wait3A_38] : memref<10240x128xf32, #tpu.memory_space<vmem_shared>> -> memref<640x128xf32, #tpu.memory_space<vmem_shared>>
      tpu.wait_dma2 semaphore(%run_scoped3A : memref<!tpu.dma_semaphore, #tpu.memory_space<semaphore_mem>>) src(%dma_wait3A_39 : memref<640x128xf32, #tpu.memory_space<vmem_shared>>) dst(%dma_wait3A_37 : memref<640x128xf32, #tpu.memory_space<hbm>>)
      tpu.yield
    }) : () -> ()
    return
  }
}

module attributes {stable_mosaic.version = 14 : i64} {
  func.func @body(%arg0: memref<10000x128xf32, #tpu.memory_space<vmem>>, %arg1: memref<128x128xf32, #tpu.memory_space<vmem>>, %arg2: memref<1x128xf32, #tpu.memory_space<vmem>>, %arg3: memref<1x128xf32, #tpu.memory_space<vmem>>, %arg4: memref<1x128xf32, #tpu.memory_space<vmem>>, %arg5: memref<10000x128xf32, #tpu.memory_space<vmem>>) attributes {dimension_semantics = [], scalar_prefetch = 0 : i64, scratch_operands = 0 : i64, tpu.core_type = #tpu.core_type<tc>} {
    %get3A = arith.constant 0 : index
    %get3A_0 = arith.constant 0 : index
    %get3A_1 = vector.load %arg0[%get3A, %get3A_0] : memref<10000x128xf32, #tpu.memory_space<vmem>>, vector<10000x128xf32>
    %get3A_2 = arith.constant 0 : index
    %get3A_3 = arith.constant 0 : index
    %get3A_4 = vector.load %arg1[%get3A_2, %get3A_3] : memref<128x128xf32, #tpu.memory_space<vmem>>, vector<128x128xf32>
    %dot_general3A = arith.constant dense<0.000000e+00> : vector<10000x128xf32>
    %dot_general3A_5 = tpu.matmul %get3A_1, %get3A_4, %dot_general3A {dimension_numbers = #tpu.dot_dimension_numbers<[1], [1], [0], [0], [0, 0, 1, 0], [], []>, transpose_lhs_hint = false} : vector<10000x128xf32>, vector<128x128xf32>, vector<10000x128xf32> -> vector<10000x128xf32>
    %get3A_6 = arith.constant 0 : index
    %get3A_7 = arith.constant 0 : index
    %get3A_8 = vector.load %arg2[%get3A_6, %get3A_7] : memref<1x128xf32, #tpu.memory_space<vmem>>, vector<1x128xf32>
    %add3A = vector.broadcast %get3A_8 : vector<1x128xf32> to vector<10000x128xf32>
    %add3A_9 = arith.addf %dot_general3A_5, %add3A : vector<10000x128xf32>
    %get3A_10 = arith.constant 0 : index
    %get3A_11 = arith.constant 0 : index
    %get3A_12 = vector.load %arg3[%get3A_10, %get3A_11] : memref<1x128xf32, #tpu.memory_space<vmem>>, vector<1x128xf32>
    %get3A_13 = arith.constant 0 : index
    %get3A_14 = arith.constant 0 : index
    %get3A_15 = vector.load %arg4[%get3A_13, %get3A_14] : memref<1x128xf32, #tpu.memory_space<vmem>>, vector<1x128xf32>
    %reduce_sum3A = arith.constant dense<0.000000e+00> : vector<128xf32>
    %reduce_sum3A_16 = vector.multi_reduction <add>, %add3A_9, %reduce_sum3A [0] : vector<10000x128xf32> to vector<128xf32>
    %broadcast_in_dim3A = vector.shape_cast %reduce_sum3A_16 : vector<128xf32> to vector<1x128xf32>
    %div3A = arith.constant 1.000000e+04 : f32
    %div3A_17 = vector.broadcast %div3A : f32 to vector<1x128xf32>
    %div3A_18 = arith.divf %broadcast_in_dim3A, %div3A_17 : vector<1x128xf32>
    %sub3A = vector.broadcast %div3A_18 : vector<1x128xf32> to vector<10000x128xf32>
    %sub3A_19 = arith.subf %add3A_9, %sub3A : vector<10000x128xf32>
    %integer_pow3A = arith.mulf %sub3A_19, %sub3A_19 : vector<10000x128xf32>
    %reduce_sum3A_20 = arith.constant dense<0.000000e+00> : vector<128xf32>
    %reduce_sum3A_21 = vector.multi_reduction <add>, %integer_pow3A, %reduce_sum3A_20 [0] : vector<10000x128xf32> to vector<128xf32>
    %broadcast_in_dim3A_22 = vector.shape_cast %reduce_sum3A_21 : vector<128xf32> to vector<1x128xf32>
    %div3A_23 = arith.constant 1.000000e+04 : f32
    %div3A_24 = vector.broadcast %div3A_23 : f32 to vector<1x128xf32>
    %div3A_25 = arith.divf %broadcast_in_dim3A_22, %div3A_24 : vector<1x128xf32>
    %sub3A_26 = vector.broadcast %div3A_18 : vector<1x128xf32> to vector<10000x128xf32>
    %sub3A_27 = arith.subf %add3A_9, %sub3A_26 : vector<10000x128xf32>
    %mul3A = vector.broadcast %get3A_12 : vector<1x128xf32> to vector<10000x128xf32>
    %mul3A_28 = arith.mulf %mul3A, %sub3A_27 : vector<10000x128xf32>
    %add3A_29 = arith.constant 9.99999974E-6 : f32
    %add3A_30 = vector.broadcast %add3A_29 : f32 to vector<1x128xf32>
    %add3A_31 = arith.addf %div3A_25, %add3A_30 : vector<1x128xf32>
    %rsqrt3A = math.rsqrt %add3A_31 : vector<1x128xf32>
    %mul3A_32 = vector.broadcast %rsqrt3A : vector<1x128xf32> to vector<10000x128xf32>
    %mul3A_33 = arith.mulf %mul3A_28, %mul3A_32 : vector<10000x128xf32>
    %add3A_34 = vector.broadcast %get3A_15 : vector<1x128xf32> to vector<10000x128xf32>
    %add3A_35 = arith.addf %mul3A_33, %add3A_34 : vector<10000x128xf32>
    %max3A = arith.constant 0.000000e+00 : f32
    %max3A_36 = vector.broadcast %max3A : f32 to vector<10000x128xf32>
    %max3A_37 = arith.maximumf %add3A_35, %max3A_36 : vector<10000x128xf32>
    %swap3A = arith.constant 0 : index
    %swap3A_38 = arith.constant 0 : index
    %swap3A_39 = vector.load %arg5[%swap3A, %swap3A_38] : memref<10000x128xf32, #tpu.memory_space<vmem>>, vector<10000x128xf32>
    tpu.vector_store %arg5[%swap3A, %swap3A_38], %max3A_37 {strides = array<i32>} : memref<10000x128xf32, #tpu.memory_space<vmem>>, vector<10000x128xf32>,
    return
  }
}

module attributes {stable_mosaic.version = 14 : i64} {
  func.func @body(%arg0: memref<10000x128xf32, #tpu.memory_space<vmem>>, %arg1: memref<2x10240x128xf32, #tpu.memory_space<vmem>>, %arg2: memref<1x1xf32, #tpu.memory_space<vmem>>, %arg3: memref<128x128xf32, #tpu.memory_space<vmem>>, %arg4: memref<1x128xf32, #tpu.memory_space<vmem>>, %arg5: memref<128x128xf32, #tpu.memory_space<vmem>>, %arg6: memref<1x128xf32, #tpu.memory_space<vmem>>, %arg7: memref<1x128xf32, #tpu.memory_space<vmem>>, %arg8: memref<1x128xf32, #tpu.memory_space<vmem>>, %arg9: memref<10000x128xf32, #tpu.memory_space<vmem>>) attributes {dimension_semantics = [], scalar_prefetch = 0 : i64, scratch_operands = 0 : i64, tpu.core_type = #tpu.core_type<tc>} {
    %get3A = arith.constant 0 : index
    %get3A_0 = arith.constant 0 : index
    %get3A_1 = vector.load %arg2[%get3A, %get3A_0] : memref<1x1xf32, #tpu.memory_space<vmem>>, vector<1x1xf32>
    %get3A_2 = vector.extract %get3A_1[0, 0] : f32 from vector<1x1xf32>
    %add3A = arith.constant 2.000000e+00 : f32
    %add3A_3 = arith.addf %add3A, %get3A_2 : f32
    %get3A_4 = arith.constant 0 : index
    %get3A_5 = arith.constant 0 : index
    %get3A_6 = vector.load %arg0[%get3A_4, %get3A_5] : memref<10000x128xf32, #tpu.memory_space<vmem>>, vector<10000x128xf32>
    %mul3A = vector.broadcast %add3A_3 : f32 to vector<10000x128xf32>
    %mul3A_7 = arith.mulf %mul3A, %get3A_6 : vector<10000x128xf32>
    %get3A_8 = arith.constant 0 : index
    %get3A_9 = arith.constant 0 : index
    %get3A_10 = arith.constant 0 : index
    %get3A_11 = vector.load %arg1[%get3A_8, %get3A_9, %get3A_10] : memref<2x10240x128xf32, #tpu.memory_space<vmem>>, vector<1x10000x128xf32>
    %get3A_12 = vector.shape_cast %get3A_11 : vector<1x10000x128xf32> to vector<10000x128xf32>
    %add3A_13 = arith.addf %mul3A_7, %get3A_12 : vector<10000x128xf32>
    %get3A_14 = arith.constant 1 : index
    %get3A_15 = arith.constant 0 : index
    %get3A_16 = arith.constant 0 : index
    %get3A_17 = vector.load %arg1[%get3A_14, %get3A_15, %get3A_16] : memref<2x10240x128xf32, #tpu.memory_space<vmem>>, vector<1x10000x128xf32>
    %get3A_18 = vector.shape_cast %get3A_17 : vector<1x10000x128xf32> to vector<10000x128xf32>
    %add3A_19 = arith.addf %add3A_13, %get3A_18 : vector<10000x128xf32>
    %get3A_20 = arith.constant 0 : index
    %get3A_21 = arith.constant 0 : index
    %get3A_22 = vector.load %arg3[%get3A_20, %get3A_21] : memref<128x128xf32, #tpu.memory_space<vmem>>, vector<128x128xf32>
    %dot_general3A = arith.constant dense<0.000000e+00> : vector<10000x128xf32>
    %dot_general3A_23 = tpu.matmul %add3A_19, %get3A_22, %dot_general3A {dimension_numbers = #tpu.dot_dimension_numbers<[1], [1], [0], [0], [0, 0, 1, 0], [], []>, transpose_lhs_hint = false} : vector<10000x128xf32>, vector<128x128xf32>, vector<10000x128xf32> -> vector<10000x128xf32>
    %get3A_24 = arith.constant 0 : index
    %get3A_25 = arith.constant 0 : index
    %get3A_26 = vector.load %arg4[%get3A_24, %get3A_25] : memref<1x128xf32, #tpu.memory_space<vmem>>, vector<1x128xf32>
    %add3A_27 = vector.broadcast %get3A_26 : vector<1x128xf32> to vector<10000x128xf32>
    %add3A_28 = arith.addf %dot_general3A_23, %add3A_27 : vector<10000x128xf32>
    %max3A = arith.constant 0.000000e+00 : f32
    %max3A_29 = vector.broadcast %max3A : f32 to vector<10000x128xf32>
    %max3A_30 = arith.maximumf %add3A_28, %max3A_29 : vector<10000x128xf32>
    %get3A_31 = arith.constant 0 : index
    %get3A_32 = arith.constant 0 : index
    %get3A_33 = vector.load %arg5[%get3A_31, %get3A_32] : memref<128x128xf32, #tpu.memory_space<vmem>>, vector<128x128xf32>
    %dot_general3A_34 = arith.constant dense<0.000000e+00> : vector<10000x128xf32>
    %dot_general3A_35 = tpu.matmul %max3A_30, %get3A_33, %dot_general3A_34 {dimension_numbers = #tpu.dot_dimension_numbers<[1], [1], [0], [0], [0, 0, 1, 0], [], []>, transpose_lhs_hint = false} : vector<10000x128xf32>, vector<128x128xf32>, vector<10000x128xf32> -> vector<10000x128xf32>
    %get3A_36 = arith.constant 0 : index
    %get3A_37 = arith.constant 0 : index
    %get3A_38 = vector.load %arg6[%get3A_36, %get3A_37] : memref<1x128xf32, #tpu.memory_space<vmem>>, vector<1x128xf32>
    %add3A_39 = vector.broadcast %get3A_38 : vector<1x128xf32> to vector<10000x128xf32>
    %add3A_40 = arith.addf %dot_general3A_35, %add3A_39 : vector<10000x128xf32>
    %get3A_41 = arith.constant 0 : index
    %get3A_42 = arith.constant 0 : index
    %get3A_43 = vector.load %arg7[%get3A_41, %get3A_42] : memref<1x128xf32, #tpu.memory_space<vmem>>, vector<1x128xf32>
    %get3A_44 = arith.constant 0 : index
    %get3A_45 = arith.constant 0 : index
    %get3A_46 = vector.load %arg8[%get3A_44, %get3A_45] : memref<1x128xf32, #tpu.memory_space<vmem>>, vector<1x128xf32>
    %reduce_sum3A = arith.constant dense<0.000000e+00> : vector<128xf32>
    %reduce_sum3A_47 = vector.multi_reduction <add>, %add3A_40, %reduce_sum3A [0] : vector<10000x128xf32> to vector<128xf32>
    %broadcast_in_dim3A = vector.shape_cast %reduce_sum3A_47 : vector<128xf32> to vector<1x128xf32>
    %div3A = arith.constant 1.000000e+04 : f32
    %div3A_48 = vector.broadcast %div3A : f32 to vector<1x128xf32>
    %div3A_49 = arith.divf %broadcast_in_dim3A, %div3A_48 : vector<1x128xf32>
    %sub3A = vector.broadcast %div3A_49 : vector<1x128xf32> to vector<10000x128xf32>
    %sub3A_50 = arith.subf %add3A_40, %sub3A : vector<10000x128xf32>
    %integer_pow3A = arith.mulf %sub3A_50, %sub3A_50 : vector<10000x128xf32>
    %reduce_sum3A_51 = arith.constant dense<0.000000e+00> : vector<128xf32>
    %reduce_sum3A_52 = vector.multi_reduction <add>, %integer_pow3A, %reduce_sum3A_51 [0] : vector<10000x128xf32> to vector<128xf32>
    %broadcast_in_dim3A_53 = vector.shape_cast %reduce_sum3A_52 : vector<128xf32> to vector<1x128xf32>
    %div3A_54 = arith.constant 1.000000e+04 : f32
    %div3A_55 = vector.broadcast %div3A_54 : f32 to vector<1x128xf32>
    %div3A_56 = arith.divf %broadcast_in_dim3A_53, %div3A_55 : vector<1x128xf32>
    %sub3A_57 = vector.broadcast %div3A_49 : vector<1x128xf32> to vector<10000x128xf32>
    %sub3A_58 = arith.subf %add3A_40, %sub3A_57 : vector<10000x128xf32>
    %mul3A_59 = vector.broadcast %get3A_43 : vector<1x128xf32> to vector<10000x128xf32>
    %mul3A_60 = arith.mulf %mul3A_59, %sub3A_58 : vector<10000x128xf32>
    %add3A_61 = arith.constant 9.99999974E-6 : f32
    %add3A_62 = vector.broadcast %add3A_61 : f32 to vector<1x128xf32>
    %add3A_63 = arith.addf %div3A_56, %add3A_62 : vector<1x128xf32>
    %rsqrt3A = math.rsqrt %add3A_63 : vector<1x128xf32>
    %mul3A_64 = vector.broadcast %rsqrt3A : vector<1x128xf32> to vector<10000x128xf32>
    %mul3A_65 = arith.mulf %mul3A_60, %mul3A_64 : vector<10000x128xf32>
    %add3A_66 = vector.broadcast %get3A_46 : vector<1x128xf32> to vector<10000x128xf32>
    %add3A_67 = arith.addf %mul3A_65, %add3A_66 : vector<10000x128xf32>
    %max3A_68 = arith.constant 0.000000e+00 : f32
    %max3A_69 = vector.broadcast %max3A_68 : f32 to vector<10000x128xf32>
    %max3A_70 = arith.maximumf %add3A_67, %max3A_69 : vector<10000x128xf32>
    %swap3A = arith.constant 0 : index
    %swap3A_71 = arith.constant 0 : index
    %swap3A_72 = vector.load %arg9[%swap3A, %swap3A_71] : memref<10000x128xf32, #tpu.memory_space<vmem>>, vector<10000x128xf32>
    tpu.vector_store %arg9[%swap3A, %swap3A_71], %max3A_70 {strides = array<i32>} : memref<10000x128xf32, #tpu.memory_space<vmem>>, vector<10000x128xf32>,
    return
  }
}

module attributes {stable_mosaic.version = 14 : i64} {
  func.func @body(%arg0: memref<10000x128xf32, #tpu.memory_space<vmem>>, %arg1: memref<2x10240x128xf32, #tpu.memory_space<vmem>>, %arg2: memref<1x1xf32, #tpu.memory_space<vmem>>, %arg3: memref<128x128xf32, #tpu.memory_space<vmem>>, %arg4: memref<1x128xf32, #tpu.memory_space<vmem>>, %arg5: memref<128x128xf32, #tpu.memory_space<vmem>>, %arg6: memref<1x128xf32, #tpu.memory_space<vmem>>, %arg7: memref<1x128xf32, #tpu.memory_space<vmem>>, %arg8: memref<1x128xf32, #tpu.memory_space<vmem>>, %arg9: memref<128x128xf32, #tpu.memory_space<vmem>>, %arg10: memref<1x128xf32, #tpu.memory_space<vmem>>, %arg11: memref<10000x128xf32, #tpu.memory_space<vmem>>) attributes {dimension_semantics = [], scalar_prefetch = 0 : i64, scratch_operands = 0 : i64, tpu.core_type = #tpu.core_type<tc>} {
    %get3A = arith.constant 0 : index
    %get3A_0 = arith.constant 0 : index
    %get3A_1 = vector.load %arg2[%get3A, %get3A_0] : memref<1x1xf32, #tpu.memory_space<vmem>>, vector<1x1xf32>
    %get3A_2 = vector.extract %get3A_1[0, 0] : f32 from vector<1x1xf32>
    %add3A = arith.constant 2.000000e+00 : f32
    %add3A_3 = arith.addf %add3A, %get3A_2 : f32
    %get3A_4 = arith.constant 0 : index
    %get3A_5 = arith.constant 0 : index
    %get3A_6 = vector.load %arg0[%get3A_4, %get3A_5] : memref<10000x128xf32, #tpu.memory_space<vmem>>, vector<10000x128xf32>
    %mul3A = vector.broadcast %add3A_3 : f32 to vector<10000x128xf32>
    %mul3A_7 = arith.mulf %mul3A, %get3A_6 : vector<10000x128xf32>
    %get3A_8 = arith.constant 0 : index
    %get3A_9 = arith.constant 0 : index
    %get3A_10 = arith.constant 0 : index
    %get3A_11 = vector.load %arg1[%get3A_8, %get3A_9, %get3A_10] : memref<2x10240x128xf32, #tpu.memory_space<vmem>>, vector<1x10000x128xf32>
    %get3A_12 = vector.shape_cast %get3A_11 : vector<1x10000x128xf32> to vector<10000x128xf32>
    %add3A_13 = arith.addf %mul3A_7, %get3A_12 : vector<10000x128xf32>
    %get3A_14 = arith.constant 1 : index
    %get3A_15 = arith.constant 0 : index
    %get3A_16 = arith.constant 0 : index
    %get3A_17 = vector.load %arg1[%get3A_14, %get3A_15, %get3A_16] : memref<2x10240x128xf32, #tpu.memory_space<vmem>>, vector<1x10000x128xf32>
    %get3A_18 = vector.shape_cast %get3A_17 : vector<1x10000x128xf32> to vector<10000x128xf32>
    %add3A_19 = arith.addf %add3A_13, %get3A_18 : vector<10000x128xf32>
    %get3A_20 = arith.constant 0 : index
    %get3A_21 = arith.constant 0 : index
    %get3A_22 = vector.load %arg3[%get3A_20, %get3A_21] : memref<128x128xf32, #tpu.memory_space<vmem>>, vector<128x128xf32>
    %dot_general3A = arith.constant dense<0.000000e+00> : vector<10000x128xf32>
    %dot_general3A_23 = tpu.matmul %add3A_19, %get3A_22, %dot_general3A {dimension_numbers = #tpu.dot_dimension_numbers<[1], [1], [0], [0], [0, 0, 1, 0], [], []>, transpose_lhs_hint = false} : vector<10000x128xf32>, vector<128x128xf32>, vector<10000x128xf32> -> vector<10000x128xf32>
    %get3A_24 = arith.constant 0 : index
    %get3A_25 = arith.constant 0 : index
    %get3A_26 = vector.load %arg4[%get3A_24, %get3A_25] : memref<1x128xf32, #tpu.memory_space<vmem>>, vector<1x128xf32>
    %add3A_27 = vector.broadcast %get3A_26 : vector<1x128xf32> to vector<10000x128xf32>
    %add3A_28 = arith.addf %dot_general3A_23, %add3A_27 : vector<10000x128xf32>
    %max3A = arith.constant 0.000000e+00 : f32
    %max3A_29 = vector.broadcast %max3A : f32 to vector<10000x128xf32>
    %max3A_30 = arith.maximumf %add3A_28, %max3A_29 : vector<10000x128xf32>
    %get3A_31 = arith.constant 0 : index
    %get3A_32 = arith.constant 0 : index
    %get3A_33 = vector.load %arg5[%get3A_31, %get3A_32] : memref<128x128xf32, #tpu.memory_space<vmem>>, vector<128x128xf32>
    %dot_general3A_34 = arith.constant dense<0.000000e+00> : vector<10000x128xf32>
    %dot_general3A_35 = tpu.matmul %max3A_30, %get3A_33, %dot_general3A_34 {dimension_numbers = #tpu.dot_dimension_numbers<[1], [1], [0], [0], [0, 0, 1, 0], [], []>, transpose_lhs_hint = false} : vector<10000x128xf32>, vector<128x128xf32>, vector<10000x128xf32> -> vector<10000x128xf32>
    %get3A_36 = arith.constant 0 : index
    %get3A_37 = arith.constant 0 : index
    %get3A_38 = vector.load %arg6[%get3A_36, %get3A_37] : memref<1x128xf32, #tpu.memory_space<vmem>>, vector<1x128xf32>
    %add3A_39 = vector.broadcast %get3A_38 : vector<1x128xf32> to vector<10000x128xf32>
    %add3A_40 = arith.addf %dot_general3A_35, %add3A_39 : vector<10000x128xf32>
    %get3A_41 = arith.constant 0 : index
    %get3A_42 = arith.constant 0 : index
    %get3A_43 = vector.load %arg7[%get3A_41, %get3A_42] : memref<1x128xf32, #tpu.memory_space<vmem>>, vector<1x128xf32>
    %get3A_44 = arith.constant 0 : index
    %get3A_45 = arith.constant 0 : index
    %get3A_46 = vector.load %arg8[%get3A_44, %get3A_45] : memref<1x128xf32, #tpu.memory_space<vmem>>, vector<1x128xf32>
    %reduce_sum3A = arith.constant dense<0.000000e+00> : vector<128xf32>
    %reduce_sum3A_47 = vector.multi_reduction <add>, %add3A_40, %reduce_sum3A [0] : vector<10000x128xf32> to vector<128xf32>
    %broadcast_in_dim3A = vector.shape_cast %reduce_sum3A_47 : vector<128xf32> to vector<1x128xf32>
    %div3A = arith.constant 1.000000e+04 : f32
    %div3A_48 = vector.broadcast %div3A : f32 to vector<1x128xf32>
    %div3A_49 = arith.divf %broadcast_in_dim3A, %div3A_48 : vector<1x128xf32>
    %sub3A = vector.broadcast %div3A_49 : vector<1x128xf32> to vector<10000x128xf32>
    %sub3A_50 = arith.subf %add3A_40, %sub3A : vector<10000x128xf32>
    %integer_pow3A = arith.mulf %sub3A_50, %sub3A_50 : vector<10000x128xf32>
    %reduce_sum3A_51 = arith.constant dense<0.000000e+00> : vector<128xf32>
    %reduce_sum3A_52 = vector.multi_reduction <add>, %integer_pow3A, %reduce_sum3A_51 [0] : vector<10000x128xf32> to vector<128xf32>
    %broadcast_in_dim3A_53 = vector.shape_cast %reduce_sum3A_52 : vector<128xf32> to vector<1x128xf32>
    %div3A_54 = arith.constant 1.000000e+04 : f32
    %div3A_55 = vector.broadcast %div3A_54 : f32 to vector<1x128xf32>
    %div3A_56 = arith.divf %broadcast_in_dim3A_53, %div3A_55 : vector<1x128xf32>
    %sub3A_57 = vector.broadcast %div3A_49 : vector<1x128xf32> to vector<10000x128xf32>
    %sub3A_58 = arith.subf %add3A_40, %sub3A_57 : vector<10000x128xf32>
    %mul3A_59 = vector.broadcast %get3A_43 : vector<1x128xf32> to vector<10000x128xf32>
    %mul3A_60 = arith.mulf %mul3A_59, %sub3A_58 : vector<10000x128xf32>
    %add3A_61 = arith.constant 9.99999974E-6 : f32
    %add3A_62 = vector.broadcast %add3A_61 : f32 to vector<1x128xf32>
    %add3A_63 = arith.addf %div3A_56, %add3A_62 : vector<1x128xf32>
    %rsqrt3A = math.rsqrt %add3A_63 : vector<1x128xf32>
    %mul3A_64 = vector.broadcast %rsqrt3A : vector<1x128xf32> to vector<10000x128xf32>
    %mul3A_65 = arith.mulf %mul3A_60, %mul3A_64 : vector<10000x128xf32>
    %add3A_66 = vector.broadcast %get3A_46 : vector<1x128xf32> to vector<10000x128xf32>
    %add3A_67 = arith.addf %mul3A_65, %add3A_66 : vector<10000x128xf32>
    %max3A_68 = arith.constant 0.000000e+00 : f32
    %max3A_69 = vector.broadcast %max3A_68 : f32 to vector<10000x128xf32>
    %max3A_70 = arith.maximumf %add3A_67, %max3A_69 : vector<10000x128xf32>
    %get3A_71 = arith.constant 0 : index
    %get3A_72 = arith.constant 0 : index
    %get3A_73 = vector.load %arg9[%get3A_71, %get3A_72] : memref<128x128xf32, #tpu.memory_space<vmem>>, vector<128x128xf32>
    %dot_general3A_74 = arith.constant dense<0.000000e+00> : vector<10000x128xf32>
    %dot_general3A_75 = tpu.matmul %max3A_70, %get3A_73, %dot_general3A_74 {dimension_numbers = #tpu.dot_dimension_numbers<[1], [1], [0], [0], [0, 0, 1, 0], [], []>, transpose_lhs_hint = false} : vector<10000x128xf32>, vector<128x128xf32>, vector<10000x128xf32> -> vector<10000x128xf32>
    %get3A_76 = arith.constant 0 : index
    %get3A_77 = arith.constant 0 : index
    %get3A_78 = vector.load %arg10[%get3A_76, %get3A_77] : memref<1x128xf32, #tpu.memory_space<vmem>>, vector<1x128xf32>
    %add3A_79 = vector.broadcast %get3A_78 : vector<1x128xf32> to vector<10000x128xf32>
    %add3A_80 = arith.addf %dot_general3A_75, %add3A_79 : vector<10000x128xf32>
    %swap3A = arith.constant 0 : index
    %swap3A_81 = arith.constant 0 : index
    %swap3A_82 = vector.load %arg11[%swap3A, %swap3A_81] : memref<10000x128xf32, #tpu.memory_space<vmem>>, vector<10000x128xf32>
    tpu.vector_store %arg11[%swap3A, %swap3A_81], %add3A_80 {strides = array<i32>} : memref<10000x128xf32, #tpu.memory_space<vmem>>, vector<10000x128xf32>,
    return
  }
}

</mosaic_0001>

<sc_bundles>
// kernel: kernel.10.cloned.1.call-start
scs
__scs_entry_jumppad:
0x0: {  	(pc) =	sbr.rel $0x88, $3  }
0x1: {  	(tag) =	ssettag $0x0;
	lr =	simm.s32 $0x1  }
0x2: {  	[smem:$0x3F8B] =	sst lr;
	_ =	strace $0xD0000000  }
0x3: {  	_ = 	snop  }
0x4: {  	_ = 	snop  }
0x5: {  	_ = 	snop  }
0x6: {  	_ = 	snop  }
0x7: {  	_ = 	snop  }
__scs_overlays_trampoline_lowered:
0x8: {  	[smem:$0x3F9A] =	sst s0  }
0x9: {  	[smem:$0x3F9B] =	sst s1  }
0xa: {  	[smem:$0x3F9C] =	sst s2  }
0xb: {  	[smem:$0x3F9D] =	sst s3  }
0xc: {  	[smem:$0x3F9E] =	sst s4  }
0xd: {  	[smem:$0x3F9F] =	sst s5  }
0xe: {  	[smem:$0x3FA0] =	sst s6  }
0xf: {  	[smem:$0x3FA1] =	sst s7  }
0x10: {  	[smem:$0x3FA2] =	sst s8  }
0x11: {  	[smem:$0x3FA3] =	sst s9;
	s0 =	simm.s32 @!p0 $0x0  }
0x12: {  	s1 =	sld [smem:$0x3F89];
	s0 =	simm.s32 @p0 $0x1  }
0x13: {  	[smem:$0x3FA4] =	sst s0;
	s0 =	simm.s32 @!p1 $0x0  }
0x14: {  	s2 =	sld [smem:$0x3F88];
	s0 =	simm.s32 @p1 $0x1  }
0x15: {  	[smem:$0x3FA5] =	sst s0;
	s0 =	simm.s32 @!p2 $0x0  }
0x16: {  	s3 =	sld [smem:$0x3FDB];
	s0 =	simm.s32 @p2 $0x1  }
0x17: {  	s4 =	simm.s32 $0x1BF5;
	[smem:$0x3FA7] =	sst s0  }
0x18: {  	s0 =	sld [smem:$0x3F8A];
	_ =	swait.ge [sflag:s4], $0x0  }
0x19: {  	s7 =	sld [smem:$0x3F8B]  }
0x1a: {  	s8 =	sadd.s32 $0xFFFFE003, lr  }
0x1b: {  	s9 =	sadd.s32 $0xFFFFFEF7, lr;
	s5 =	simm.s32 $0xFFFFFFFF;
	p2 =	slt.u32 s8, $0xFFFFF086  }
0x1c: {  	p1 =	slt.u32 s9, $0xF7A;
	s5 =	simm.s32 @!p2 $0x0  }
0x1d: {  	s5 =	simm.s32 @p1 $0x1;
	p0 =	seq.s32 s7, s2  }
0x1e: {  	s7 =	smul.u32 @!p0 $0xF7A, s2;
	p2 =	seq.s32 @!p0 s5, $0x0  }
0x1f: {  	s9 =	smul.u32 $0xF7A, s1;
	s8 =	simm.s32 @!p0 $0x1BF5;
	p2 =	por !p2, p0  }
0x20: {  	[sflag:s8] =	ssyncset.s32 @!p0 $0xFFFFF086;
	s6 =	sadd.s32 @!p0 s3, s7;
	s7 =	simm.s32 @!p0 $0x108  }
0x21: {  	s3 =	sadd.s32 s3, s9;
	s6 =	sadd.s32 @!p0 $0x88, s6;
	s7 =	simm.s32 @p2 $0x1082  }
0x22: {  	[simem:s7], [sflag:s8] =	dma.local @!p0 [hbm:s6], $0xF7A  }
0x23: {  	s9 =	sor.u32 $0xD0000000, s2;
	s6 =	simm.s32 $0x108;
	_ =	swait.ge @!p0 [sflag:s8], $0x0  }
0x24: {  	s3 =	sadd.s32 $0x88, s3;
	s6 =	simm.s32 @!p1 $0x1082;
	[sflag:s4] =	ssyncset.s32 $0xFFFFF086  }
0x25: {  	[simem:s6], [sflag:s4] =	dma.local [hbm:s3], $0xF7A  }
0x26: {  	[smem:$0x3F8B] =	sst s1;
	(tag) =	ssettag s2;
	_ =	strace s9  }
0x27: {  	s1 =	sld [smem:$0x3F9B]  }
0x28: {  	s2 =	sld [smem:$0x3F9C]  }
0x29: {  	s4 =	sld [smem:$0x3F9E]  }
0x2a: {  	p0 =	seq.s32 s5, $0x0;
	s5 =	sld [smem:$0x3F9F]  }
0x2b: {  	s6 =	sld [smem:$0x3FA0]  }
0x2c: {  	s7 =	sld [smem:$0x3FA1]  }
0x2d: {  	s3 =	simm.s32 $0x108;
	s8 =	sld [smem:$0x3FA2]  }
0x2e: {  	s3 =	simm.s32 @!p0 $0x1082;
	s9 =	sld [smem:$0x3FA3]  }
0x2f: {  	lr =	sadd.s32 s0, s3;
	s0 =	sld [smem:$0x3F9A]  }
0x30: {  	s3 =	sld [smem:$0x3F9D]  }
0x31: {  	[smem:$0x3FA6] =	sst s10  }
0x32: {  	s10 =	sld [smem:$0x3FA4];
	_ =	sdelay $0x3  }
0x33: {  	p0 =	seq.s32 s10, $0x1;
	s10 =	sld [smem:$0x3FA6];
	_ =	sdelay $0x3  }
0x34: {  	[smem:$0x3FA6] =	sst s10  }
0x35: {  	s10 =	sld [smem:$0x3FA5];
	_ =	sdelay $0x3  }
0x36: {  	p1 =	seq.s32 s10, $0x1;
	s10 =	sld [smem:$0x3FA6];
	_ =	sdelay $0x3  }
0x37: {  	[smem:$0x3FA6] =	sst s10  }
0x38: {  	s10 =	sld [smem:$0x3FA7]  }
0x39: {  	_ = 	snop;
	(pc) =	sbr.ind lr, $3  }
0x3a: {  	_ = 	snop  }
0x3b: {  	_ = 	snop  }
0x3c: {  	p2 =	seq.s32 s10, $0x1;
	s10 =	sld [smem:$0x3FA6]  }
0x3d: {  	_ =	shalt  }
0x3e: {  	_ =	shalt  }
0x3f: {  	_ =	shalt  }
0x40: {  	_ =	shalt  }
0x41: {  	_ =	shalt  }
0x42: {  	_ =	shalt  }
0x43: {  	_ =	shalt  }
0x44: {  	_ =	shalt  }
0x45: {  	_ =	shalt  }
0x46: {  	_ =	shalt  }
0x47: {  	_ =	shalt  }
0x48: {  	_ =	shalt  }
0x49: {  	_ =	shalt  }
0x4a: {  	_ =	shalt  }
0x4b: {  	_ =	shalt  }
0x4c: {  	_ =	shalt  }
0x4d: {  	_ =	shalt  }
0x4e: {  	_ =	shalt  }
0x4f: {  	_ =	shalt  }
0x50: {  	_ =	shalt  }
0x51: {  	_ =	shalt  }
0x52: {  	_ =	shalt  }
0x53: {  	_ =	shalt  }
0x54: {  	_ =	shalt  }
0x55: {  	_ =	shalt  }
0x56: {  	_ =	shalt  }
0x57: {  	_ =	shalt  }
0x58: {  	_ =	shalt  }
0x59: {  	_ =	shalt  }
0x5a: {  	_ =	shalt  }
0x5b: {  	_ =	shalt  }
0x5c: {  	_ =	shalt  }
0x5d: {  	_ =	shalt  }
0x5e: {  	_ =	shalt  }
0x5f: {  	_ =	shalt  }
0x60: {  	_ =	shalt  }
0x61: {  	_ =	shalt  }
0x62: {  	_ =	shalt  }
0x63: {  	_ =	shalt  }
0x64: {  	_ =	shalt  }
0x65: {  	_ =	shalt  }
0x66: {  	_ =	shalt  }
0x67: {  	_ =	shalt  }
0x68: {  	_ =	shalt  }
0x69: {  	_ =	shalt  }
0x6a: {  	_ =	shalt  }
0x6b: {  	_ =	shalt  }
0x6c: {  	_ =	shalt  }
0x6d: {  	_ =	shalt  }
0x6e: {  	_ =	shalt  }
0x6f: {  	_ =	shalt  }
0x70: {  	_ =	shalt  }
0x71: {  	_ =	shalt  }
0x72: {  	_ =	shalt  }
0x73: {  	_ =	shalt  }
0x74: {  	_ =	shalt  }
0x75: {  	_ =	shalt  }
0x76: {  	_ =	shalt  }
0x77: {  	_ =	shalt  }
0x78: {  	_ =	shalt  }
0x79: {  	_ =	shalt  }
0x7a: {  	_ =	shalt  }
0x7b: {  	_ =	shalt  }
0x7c: {  	_ =	shalt  }
0x7d: {  	_ =	shalt  }
0x7e: {  	_ =	shalt  }
0x7f: {  	_ =	shalt  }
0x80: {  	_ =	shalt  }
0x81: {  	_ =	shalt  }
0x82: {  	_ =	shalt  }
0x83: {  	_ =	shalt  }
0x84: {  	_ =	shalt  }
0x85: {  	_ =	shalt  }
0x86: {  	_ =	shalt  }
0x87: {  	_ =	shalt  }
.Lfunc_end0:
.L_simem_size_0:
called_computation.1_lowered:
.L_overlay_start_0:
0x88: {  	s2 =	sld [smem:$0x3FD9]  }
0x89: {  	s3 =	sld [smem:$0x3FFE];
	_ =	sdelay $0x1  }
0x8a: {  	s1 =	srdreg.scid  }
0x8b: {  	s0 =	sand.u32 $0x1, s1  }
0x8c: {  	s17 =	sshll.u32 s0, $0xA;
	s2 =	sadd.s32 s3, s2  }
0x8d: {  	s2 =	sadd.s32 s2, s17  }
0x8e: {  	[smem:$0x3FB2] =	sst s2  }
0x8f: {  	_ = 	snop  }
0x90: {  	s2 =	sld [smem:$0x3FD0];
	(tm) =	ssettm $0x1  }
0x91: {  	s18 =	sld [smem:$0x3FFB];
	_ =	sdelay $0x3  }
0x92: {  	_ =	strace s18  }
0x93: {  	s3 =	sld [smem:$0x3FFC];
	_ =	sdelay $0x3  }
0x94: {  	_ =	strace s3  }
0x95: {  	s3 =	sld [smem:$0x3FFD];
	_ =	sdelay $0x3  }
0x96: {  	_ =	strace s3  }
0x97: {  	_ =	strace $0x8FFFFFFF  }
0x98: {  	s19 =	sld [smem:$0x3FDB];
	_ =	sdelay $0x1  }
0x99: {  	s4 =	simm.s32 $_scs_section_size  }
0x9a: {  	s5 =	simm.s32 $_size__tile_overlayer_lowered;
	s6 =	simm.s32 $_tile_overlayer_lowered  }
0x9b: {  	s22 =	simm.s32 $0x1BFF;
	s21 =	sshll.u32 s6, $0x1;
	s3 =	sadd.s32 s4, s19  }
0x9c: {  	s7 =	simm.s32 $0x0;
	s20 =	sshll.u32 s5, $0x1;
	s5 =	sadd.s32 s21, s3  }
0x9d: {  	[timem:s7], [sflag:s22] =	dma.local [hbm:s5], s20  }
0x9e: {  	_ =	swait.ge [sflag:s22], s20  }
0x9f: {  	s4 =	ssub.s32 $0x0, s20;
	[sflag:s22] =	ssyncset.done $0x0  }
0xa0: {  	[sflag:s22] =	ssyncadd.s32 s4;
	_ =	sdelay $0x1  }
0xa1: {  	s23 =	simm.s32 $0x1B8B  }
0xa2: {  	_ =	swait.ge [sflag:s23], $0x1  }
0xa3: {  	[sflag:s23] =	ssyncset.done $0x0  }
0xa4: {  	s25 =	simm.s32 $0x1B8E;
	s24 =	sld [smem:$0x3FFE];
	[sflag:s23] =	ssyncadd.s32 $0xFFFFFFFF  }
0xa5: {  	s26 =	simm.s32 $execute0_lowered;
	[smem:$0x3FD2] =	sst s25  }
0xa6: {  	s5 =	sshll.u32 s26, $0x1;
	_ =	strace $0x80000049;
	[dreg:$0x1] =	wrdreg $0xFFFFFFFF  }
0xa7: {  	s28 =	simm.s32 $_size_execute0_lowered;
	s3 =	sadd.s32 s3, s5;
	[dreg:$0x0] =	wrdreg $0x0  }
0xa8: {  	s5 =	sshll.u32 s28, $0x1;
	[dreg:$0x2] =	wrdreg s3  }
0xa9: {  	[dreg:$0x3] =	wrdreg s5  }
0xaa: {  	[dreg:$0x4] =	wrdreg $0xC0  }
0xab: {  	_ =	task [dreg:s7], $0x5FFFF  }
0xac: {  	[dreg:$0x1] =	wrdreg $0xFFFFFFFF  }
0xad: {  	[dreg:$0x0] =	wrdreg $0x60  }
0xae: {  	[dreg:$0x2] =	wrdreg s2  }
0xaf: {  	[dreg:$0x3] =	wrdreg s24  }
0xb0: {  	[dreg:$0x4] =	wrdreg $0x90000  }
0xb1: {  	[dreg:$0x5] =	wrdreg $0x9  }
0xb2: {  	_ =	task.clear_ibuf [dreg:s7], $0x6FFFF;
	_ =	strace $0x90000049  }
0xb3: {  	s29 =	simm.s32 $0x9;
	_ =	strace $0x8000004B  }
0xb4: {  	_ =	swait.ge [sflag:s29], $0x1  }
0xb5: {  	[sflag:s29] =	ssyncadd.s32 $0xFFFFFFFF  }
0xb6: {  	_ =	strace $0x9000004B  }
0xb7: {  	_ =	sfence  }
0xb8: {  	s30 =	sld [smem:$0x0];
	_ =	sdelay $0x2  }
0xb9: {  	s31 =	sshll.u32 s1, $0xD;
	s1 =	sshrl.u32 s1, $0x2  }
0xba: {  	s3 =	sand.u32 $0x4000, s31;
	s1 =	sadd.s32 s1, s30  }
0xbb: {  	s0 =	sor.u32 s3, s0;
	s1 =	sshll.u32 s1, $0x11  }
0xbc: {  	s0 =	sor.u32 s1, s0  }
0xbd: {  	s0 =	sadd.s32 $0x8F2B, s0  }
0xbe: {  	[sflag:s0] =	ssyncadd.remote.s32 $0x1  }
0xbf: {  	_ =	sfence.sel $0xFFFF  }
0xc0: {  	[dreg:$0x0] =	wrdreg $0xFFFFFFFF;
	(pc) =	sbr.abs _section_cstart, $3  }
0xc1: {  	[dreg:$0x1] =	wrdreg $0xFFFFFFFF  }
0xc2: {  	_ =	task.clear_ibuf [dreg:s7], $0x2FFFF;
	_ =	strace $0x9FFFFFFF  }
0xc3: {  	(tm) =	ssettm $0x7FFFFFFF  }
tec
execute0_lowered:
.L_overlay_start_1:
0x0: {  	(tag) =	ssettag $0x1  }
0x1: {  	s1 =	rddreg [dreg:$0x0]  }
0x2: {  	s0 =	rddreg [dreg:$0x1]  }
0x3: {  	s2 =	rddreg [dreg:$0x2]  }
0x4: {  	s3 =	simm.s32 $0x0;
	s5 =	srdreg.scid;
	s12 =	stileid.u32  }
0x5: {  	s13 =	simm.s32 $0x80;
	s14 =	simm.s32 $0x1000;
	s15 =	simm.s32 $0x5000  }
0x6: {  	s16 =	simm.s32 $0x1;
	s17 =	simm.s32 $0x2;
	s19 =	simm.s32 $0x3  }
0x7: {  	s18 =	simm.s32 $0xC80;
	s20 =	simm.s32 $0x500;
	s28 =	simm.s32 $0x600  }
0x8: {  	s29 =	simm.s32 $0x680;
	s30 =	simm.s32 $0xE00;
	s31 =	simm.s32 $0xE80  }
0x9: {  	[smem:$0x7FF] =	sst s3;
	s4 =	sadd.s32 $0x3A00, s0;
	s9 =	smul.u32 $0x130, s12  }
0xa: {  	s6 =	sadd.s32 $0x2BA00, s0;
	s5 =	sand.u32 $0x1, s5;
	s11 =	smul.u32 $0x50000, s12  }
0xb: {  	s10 =	sshll.u32 s12, $0x4;
	s24 =	smul.u32 $0x2800, s12;
	_ =	strace $0x8000004A  }
0xc: {  	[dreg:$0x4] =	wrdreg s6;
	s21 =	smul.u32 $0x28000, s5;
	s7 =	ssub.s32 $0x2, s5  }
0xd: {  	p0 =	seq.s32 s5, $0x0;
	s10 =	sor.u32 $0x1300, s10;
	p1 =	sne.s32 s5, $0x0  }
0xe: {  	s5 =	simm.s32 $0xF00;
	s8 =	sshrl.u32 s7, $0x1;
	s10 =	smov.u32 @p0 s9  }
0xf: {  	s23 =	sshrl.u32 s11, $0x2;
	p0 =	sne.s32 s12, $0x0;
	s11 =	simm.s32 $0x5  }
0x10: {  	s12 =	simm.s32 $0x800;
	s6 =	sadd.s32 s21, s0;
	s8 =	ssub.s32 s7, s8  }
0x11: {  	s7 =	sadd.s32 $0x17A00, s0;
	s25 =	sshll.u32 s10, $0x4;
	s21 =	simm.s32 $0x4  }
0x12: {  	s22 =	sadd.s32 $0x53A00, s6;
	s6 =	sadd.s32 s23, s2;
	s8 =	smax.u32 s8, $0x1  }
0x13: {  	[dreg:$0x6] =	wrdreg s25;
	s25 =	simm.s32 $0xC00;
	s23 =	simm.s32 $0xF80  }
0x14: {  	[dreg:$0x5] =	wrdreg s8;
	s8 =	sshrl.u32 @!p0 s2, $0x3;
	s0 =	sadd.s32 s24, s22  }
0x15: {  	s26 =	sshrl.u32 s6, $0x3;
	s22 =	simm.s32 $0x580;
	[dreg:$0x7] =	wrdreg s8  }
0x16: {  	s24 =	simm.s32 $0xD00;
	s6 =	simm.s32 $0x780;
	[dreg:$0x8] =	wrdreg s0  }
0x17: {  	[dreg:$0x9] =	wrdreg s26;
	s0 =	simm.s32 $0x0;
	s26 =	simm.s32 $0xD80  }
.LBB2_1:
0x18: {  	[dreg:$0xa] =	wrdreg s0  }
0x19: {  	s9 =	rddreg [dreg:$0x4]  }
0x1a: {  	s8 =	simm.s32 @!p0 $0x1C05;
	s10 =	rddreg [dreg:$0x7]  }
0x1b: {  	[spmem:s10], [sflag:s8] =	dma.local @!p0 [hbm:s9], $0x28000  }
0x1c: {  	s8 =	simm.s32 @!p0 $0x5  }
0x1d: {  	_ =	swait.ge @!p0 [sflag:s8], $0x28000  }
0x1e: {  	[sflag:s8] =	ssyncset.done @!p0 $0x0  }
0x1f: {  	[sflag:s8] =	ssyncadd.s32 @!p0 $0xFFFD8000  }
0x20: {  	[bflag:$0x0] =	sbarrier.arrive $0xFFFF  }
0x21: {  	s0 =	simm.s32 $0x700;
	s10 =	simm.s32 $0x0;
	s8 =	rddreg [dreg:$0x6]  }
.LBB2_2:
0x22: {  	s9 =	sadd.s32 s8, s4  }
0x23: {  	[tilespmem:s3], [sflag:$0x5] =	stream.linear.gather [hbm4b:s9+s3], $0x800, $0x38;
	[tilespmem:$0x1D000] =	vst v63  }
0x24: {  	_ =	swait.ge [sflag:s11], $0x800  }
0x25: {  	[sflag:s11] =	ssyncset.done $0x0  }
0x26: {  	s9 =	sadd.s32 s8, s7;
	[sflag:s11] =	ssyncadd.s32 $0xFFFFF800  }
0x27: {  	[tilespmem:s12], [sflag:$0x5] =	stream.linear.gather [hbm4b:s9+s3], $0x800, $0x38;
	[tilespmem:$0x1D000] =	vst v63  }
0x28: {  	_ =	swait.ge [sflag:s11], $0x800  }
0x29: {  	[sflag:s11] =	ssyncset.done $0x0  }
0x2a: {  	[sflag:s11] =	ssyncadd.s32 $0xFFFFF800  }
0x2b: {  	[tilespmem:s14], [sflag:$0x1] =	stream.indirect.gather [hbm4b:s1+s13], $0x80, s3, s13, $0xb8;
	[tilespmem:$0x1D000] =	vst v63  }
0x2c: {  	_ = 	snop  }
0x2d: {  	[tilespmem:s15], [sflag:$0x2] =	stream.indirect.gather [hbm4b:s1+s13], $0x80, s13, s13, $0xb8;
	[tilespmem:$0x1D000] =	vst v63  }
0x2e: {  	_ =	swait.ge [sflag:s16], $0x4000  }
0x2f: {  	[sflag:s16] =	ssyncset.done $0x0  }
0x30: {  	[sflag:s16] =	ssyncadd.s32 $0xFFFFC000  }
0x31: {  	[spmem:s2] =	stream.indirect.scatter.add.f32 [tilespmem:s14], [sflag:$0x3], $0x80, s12, s13, $0xb8;
	[tilespmem:$0x1D000] =	vst v63  }
0x32: {  	_ =	swait.ge [sflag:s17], $0x4000  }
0x33: {  	[sflag:s17] =	ssyncset.done $0x0  }
0x34: {  	s9 =	simm.s32 $0x880;
	[sflag:s17] =	ssyncadd.s32 $0xFFFFC000  }
0x35: {  	[spmem:s2] =	stream.indirect.scatter.add.f32 [tilespmem:s15], [sflag:$0x4], $0x80, s9, s13, $0xb8;
	[tilespmem:$0x1D000] =	vst v63  }
0x36: {  	_ =	swait.ge [sflag:s19], $0x4000  }
0x37: {  	[sflag:s19] =	ssyncset.done $0x0  }
0x38: {  	s9 =	simm.s32 $0x100;
	[sflag:s19] =	ssyncadd.s32 $0xFFFFC000  }
0x39: {  	[tilespmem:s14], [sflag:$0x1] =	stream.indirect.gather [hbm4b:s1+s13], $0x80, s9, s13, $0xb8;
	[tilespmem:$0x1D000] =	vst v63  }
0x3a: {  	_ =	swait.ge [sflag:s21], $0x4000  }
0x3b: {  	[sflag:s21] =	ssyncset.done $0x0  }
0x3c: {  	s9 =	simm.s32 $0x180;
	[sflag:s21] =	ssyncadd.s32 $0xFFFFC000  }
0x3d: {  	[tilespmem:s15], [sflag:$0x2] =	stream.indirect.gather [hbm4b:s1+s13], $0x80, s9, s13, $0xb8;
	[tilespmem:$0x1D000] =	vst v63  }
0x3e: {  	_ =	swait.ge [sflag:s16], $0x4000  }
0x3f: {  	[sflag:s16] =	ssyncset.done $0x0  }
0x40: {  	s9 =	simm.s32 $0x900;
	[sflag:s16] =	ssyncadd.s32 $0xFFFFC000  }
0x41: {  	[spmem:s2] =	stream.indirect.scatter.add.f32 [tilespmem:s14], [sflag:$0x3], $0x80, s9, s13, $0xb8;
	[tilespmem:$0x1D000] =	vst v63  }
0x42: {  	_ =	swait.ge [sflag:s17], $0x4000  }
0x43: {  	[sflag:s17] =	ssyncset.done $0x0  }
0x44: {  	s9 =	simm.s32 $0x980;
	[sflag:s17] =	ssyncadd.s32 $0xFFFFC000  }
0x45: {  	[spmem:s2] =	stream.indirect.scatter.add.f32 [tilespmem:s15], [sflag:$0x4], $0x80, s9, s13, $0xb8;
	[tilespmem:$0x1D000] =	vst v63  }
0x46: {  	_ =	swait.ge [sflag:s19], $0x4000  }
0x47: {  	[sflag:s19] =	ssyncset.done $0x0  }
0x48: {  	s9 =	simm.s32 $0x200;
	[sflag:s19] =	ssyncadd.s32 $0xFFFFC000  }
0x49: {  	[tilespmem:s14], [sflag:$0x1] =	stream.indirect.gather [hbm4b:s1+s13], $0x80, s9, s13, $0xb8;
	[tilespmem:$0x1D000] =	vst v63  }
0x4a: {  	_ =	swait.ge [sflag:s21], $0x4000  }
0x4b: {  	[sflag:s21] =	ssyncset.done $0x0  }
0x4c: {  	s9 =	simm.s32 $0x280;
	[sflag:s21] =	ssyncadd.s32 $0xFFFFC000  }
0x4d: {  	[tilespmem:s15], [sflag:$0x2] =	stream.indirect.gather [hbm4b:s1+s13], $0x80, s9, s13, $0xb8;
	[tilespmem:$0x1D000] =	vst v63  }
0x4e: {  	_ =	swait.ge [sflag:s16], $0x4000  }
0x4f: {  	[sflag:s16] =	ssyncset.done $0x0  }
0x50: {  	s9 =	simm.s32 $0xA00;
	[sflag:s16] =	ssyncadd.s32 $0xFFFFC000  }
0x51: {  	[spmem:s2] =	stream.indirect.scatter.add.f32 [tilespmem:s14], [sflag:$0x3], $0x80, s9, s13, $0xb8;
	[tilespmem:$0x1D000] =	vst v63  }
0x52: {  	_ =	swait.ge [sflag:s17], $0x4000  }
0x53: {  	[sflag:s17] =	ssyncset.done $0x0  }
0x54: {  	s9 =	simm.s32 $0xA80;
	[sflag:s17] =	ssyncadd.s32 $0xFFFFC000  }
0x55: {  	[spmem:s2] =	stream.indirect.scatter.add.f32 [tilespmem:s15], [sflag:$0x4], $0x80, s9, s13, $0xb8;
	[tilespmem:$0x1D000] =	vst v63  }
0x56: {  	_ =	swait.ge [sflag:s19], $0x4000  }
0x57: {  	[sflag:s19] =	ssyncset.done $0x0  }
0x58: {  	s9 =	simm.s32 $0x300;
	[sflag:s19] =	ssyncadd.s32 $0xFFFFC000  }
0x59: {  	[tilespmem:s14], [sflag:$0x1] =	stream.indirect.gather [hbm4b:s1+s13], $0x80, s9, s13, $0xb8;
	[tilespmem:$0x1D000] =	vst v63  }
0x5a: {  	_ =	swait.ge [sflag:s21], $0x4000  }
0x5b: {  	[sflag:s21] =	ssyncset.done $0x0  }
0x5c: {  	s9 =	simm.s32 $0x380;
	[sflag:s21] =	ssyncadd.s32 $0xFFFFC000  }
0x5d: {  	[tilespmem:s15], [sflag:$0x2] =	stream.indirect.gather [hbm4b:s1+s13], $0x80, s9, s13, $0xb8;
	[tilespmem:$0x1D000] =	vst v63  }
0x5e: {  	_ =	swait.ge [sflag:s16], $0x4000  }
0x5f: {  	[sflag:s16] =	ssyncset.done $0x0  }
0x60: {  	s9 =	simm.s32 $0xB00;
	[sflag:s16] =	ssyncadd.s32 $0xFFFFC000  }
0x61: {  	[spmem:s2] =	stream.indirect.scatter.add.f32 [tilespmem:s14], [sflag:$0x3], $0x80, s9, s13, $0xb8;
	[tilespmem:$0x1D000] =	vst v63  }
0x62: {  	_ =	swait.ge [sflag:s17], $0x4000  }
0x63: {  	[sflag:s17] =	ssyncset.done $0x0  }
0x64: {  	s9 =	simm.s32 $0xB80;
	[sflag:s17] =	ssyncadd.s32 $0xFFFFC000  }
0x65: {  	[spmem:s2] =	stream.indirect.scatter.add.f32 [tilespmem:s15], [sflag:$0x4], $0x80, s9, s13, $0xb8;
	[tilespmem:$0x1D000] =	vst v63  }
0x66: {  	_ =	swait.ge [sflag:s19], $0x4000  }
0x67: {  	[sflag:s19] =	ssyncset.done $0x0  }
0x68: {  	s9 =	simm.s32 $0x400;
	[sflag:s19] =	ssyncadd.s32 $0xFFFFC000  }
0x69: {  	[tilespmem:s14], [sflag:$0x1] =	stream.indirect.gather [hbm4b:s1+s13], $0x80, s9, s13, $0xb8;
	[tilespmem:$0x1D000] =	vst v63  }
0x6a: {  	_ =	swait.ge [sflag:s21], $0x4000  }
0x6b: {  	[sflag:s21] =	ssyncset.done $0x0  }
0x6c: {  	s9 =	simm.s32 $0x480;
	[sflag:s21] =	ssyncadd.s32 $0xFFFFC000  }
0x6d: {  	[tilespmem:s15], [sflag:$0x2] =	stream.indirect.gather [hbm4b:s1+s13], $0x80, s9, s13, $0xb8;
	[tilespmem:$0x1D000] =	vst v63  }
0x6e: {  	_ =	swait.ge [sflag:s16], $0x4000  }
0x6f: {  	[sflag:s16] =	ssyncset.done $0x0  }
0x70: {  	[sflag:s16] =	ssyncadd.s32 $0xFFFFC000  }
0x71: {  	[spmem:s2] =	stream.indirect.scatter.add.f32 [tilespmem:s14], [sflag:$0x3], $0x80, s25, s13, $0xb8;
	[tilespmem:$0x1D000] =	vst v63  }
0x72: {  	_ =	swait.ge [sflag:s17], $0x4000  }
0x73: {  	[sflag:s17] =	ssyncset.done $0x0  }
0x74: {  	[sflag:s17] =	ssyncadd.s32 $0xFFFFC000  }
0x75: {  	[spmem:s2] =	stream.indirect.scatter.add.f32 [tilespmem:s15], [sflag:$0x4], $0x80, s18, s13, $0xb8;
	[tilespmem:$0x1D000] =	vst v63  }
0x76: {  	_ =	swait.ge [sflag:s19], $0x4000  }
0x77: {  	[sflag:s19] =	ssyncset.done $0x0  }
0x78: {  	[sflag:s19] =	ssyncadd.s32 $0xFFFFC000  }
0x79: {  	[tilespmem:s14], [sflag:$0x1] =	stream.indirect.gather [hbm4b:s1+s13], $0x80, s20, s13, $0xb8;
	[tilespmem:$0x1D000] =	vst v63  }
0x7a: {  	_ =	swait.ge [sflag:s21], $0x4000  }
0x7b: {  	[sflag:s21] =	ssyncset.done $0x0  }
0x7c: {  	[sflag:s21] =	ssyncadd.s32 $0xFFFFC000  }
0x7d: {  	[tilespmem:s15], [sflag:$0x2] =	stream.indirect.gather [hbm4b:s1+s13], $0x80, s22, s13, $0xb8;
	[tilespmem:$0x1D000] =	vst v63  }
0x7e: {  	_ =	swait.ge [sflag:s16], $0x4000  }
0x7f: {  	[sflag:s16] =	ssyncset.done $0x0  }
0x80: {  	[sflag:s16] =	ssyncadd.s32 $0xFFFFC000  }
0x81: {  	[spmem:s2] =	stream.indirect.scatter.add.f32 [tilespmem:s14], [sflag:$0x3], $0x80, s24, s13, $0xb8;
	[tilespmem:$0x1D000] =	vst v63  }
0x82: {  	_ =	swait.ge [sflag:s17], $0x4000  }
0x83: {  	[sflag:s17] =	ssyncset.done $0x0  }
0x84: {  	[sflag:s17] =	ssyncadd.s32 $0xFFFFC000  }
0x85: {  	[spmem:s2] =	stream.indirect.scatter.add.f32 [tilespmem:s15], [sflag:$0x4], $0x80, s26, s13, $0xb8;
	[tilespmem:$0x1D000] =	vst v63  }
0x86: {  	_ =	swait.ge [sflag:s19], $0x4000  }
0x87: {  	[sflag:s19] =	ssyncset.done $0x0  }
0x88: {  	[sflag:s19] =	ssyncadd.s32 $0xFFFFC000  }
0x89: {  	[tilespmem:s14], [sflag:$0x1] =	stream.indirect.gather [hbm4b:s1+s13], $0x80, s28, s13, $0xb8;
	[tilespmem:$0x1D000] =	vst v63  }
0x8a: {  	_ =	swait.ge [sflag:s21], $0x4000  }
0x8b: {  	[sflag:s21] =	ssyncset.done $0x0  }
0x8c: {  	[sflag:s21] =	ssyncadd.s32 $0xFFFFC000  }
0x8d: {  	[tilespmem:s15], [sflag:$0x2] =	stream.indirect.gather [hbm4b:s1+s13], $0x80, s29, s13, $0xb8;
	[tilespmem:$0x1D000] =	vst v63  }
0x8e: {  	_ =	swait.ge [sflag:s16], $0x4000  }
0x8f: {  	[sflag:s16] =	ssyncset.done $0x0  }
0x90: {  	[sflag:s16] =	ssyncadd.s32 $0xFFFFC000  }
0x91: {  	[spmem:s2] =	stream.indirect.scatter.add.f32 [tilespmem:s14], [sflag:$0x3], $0x80, s30, s13, $0xb8;
	[tilespmem:$0x1D000] =	vst v63  }
0x92: {  	_ =	swait.ge [sflag:s17], $0x4000  }
0x93: {  	[sflag:s17] =	ssyncset.done $0x0  }
0x94: {  	[sflag:s17] =	ssyncadd.s32 $0xFFFFC000  }
0x95: {  	[spmem:s2] =	stream.indirect.scatter.add.f32 [tilespmem:s15], [sflag:$0x4], $0x80, s31, s13, $0xb8;
	[tilespmem:$0x1D000] =	vst v63  }
0x96: {  	_ =	swait.ge [sflag:s19], $0x4000  }
0x97: {  	[sflag:s19] =	ssyncset.done $0x0  }
0x98: {  	[sflag:s19] =	ssyncadd.s32 $0xFFFFC000  }
0x99: {  	[tilespmem:s14], [sflag:$0x1] =	stream.indirect.gather [hbm4b:s1+s13], $0x80, s0, s13, $0xb8;
	[tilespmem:$0x1D000] =	vst v63  }
0x9a: {  	_ =	swait.ge [sflag:s21], $0x4000  }
0x9b: {  	[sflag:s21] =	ssyncset.done $0x0  }
0x9c: {  	[sflag:s21] =	ssyncadd.s32 $0xFFFFC000  }
0x9d: {  	[tilespmem:s15], [sflag:$0x2] =	stream.indirect.gather [hbm4b:s1+s13], $0x80, s6, s13, $0xb8;
	[tilespmem:$0x1D000] =	vst v63  }
0x9e: {  	_ =	swait.ge [sflag:s16], $0x4000  }
0x9f: {  	[sflag:s16] =	ssyncset.done $0x0  }
0xa0: {  	[sflag:s16] =	ssyncadd.s32 $0xFFFFC000  }
0xa1: {  	[spmem:s2] =	stream.indirect.scatter.add.f32 [tilespmem:s14], [sflag:$0x3], $0x80, s5, s13, $0xb8;
	[tilespmem:$0x1D000] =	vst v63  }
0xa2: {  	_ =	swait.ge [sflag:s17], $0x4000  }
0xa3: {  	[sflag:s17] =	ssyncset.done $0x0  }
0xa4: {  	p2 =	slt.u32 @!p1 s10, $0x12;
	[sflag:s17] =	ssyncadd.s32 $0xFFFFC000  }
0xa5: {  	[spmem:s2] =	stream.indirect.scatter.add.f32 [tilespmem:s15], [sflag:$0x4], $0x80, s23, s13, $0xb8;
	[tilespmem:$0x1D000] =	vst v63  }
0xa6: {  	p2 =	por p1, !p2;
	_ =	swait.ge [sflag:s19], $0x4000  }
.Ltmp0:
0xa7: {  	[sflag:s19] =	ssyncset.done $0x0;
	(pc) =	sbr.rel @!p2 .LBB2_2-.Ltmp0, $4  }
0xa8: {  	[sflag:s19] =	ssyncadd.s32 $0xFFFFC000  }
0xa9: {  	_ =	swait.ge [sflag:s21], $0x4000  }
0xaa: {  	[sflag:s21] =	ssyncset.done $0x0  }
0xab: {  	s10 =	sadd.s32 $0x1, s10;
	s8 =	sadd.s32 $0x100, s8;
	[sflag:s21] =	ssyncadd.s32 $0xFFFFC000  }
0xac: {  	s8 =	stileid.u32;
	[bflag:$0x0] =	sbarrier.arrive $0xFFFF  }
0xad: {  	s8 =	sshll.u32 s8, $0x6;
	s9 =	rddreg [dreg:$0x8]  }
0xae: {  	s10 =	rddreg [dreg:$0x9];
	s8 =	sor.u32 $0x1C05, s8  }
0xaf: {  	[hbm:s9], [sflag:s8] =	dma.local [spmem:s10], $0x2800  }
0xb0: {  	_ =	swait.ge [sflag:s11], $0x2800  }
0xb1: {  	s0 =	rddreg [dreg:$0xa]  }
0xb2: {  	s10 =	rddreg [dreg:$0x5];
	s0 =	sadd.s32 $0x1, s0  }
0xb3: {  	p2 =	sne.s32 s0, s10  }
.Ltmp1:
0xb4: {  	_ = 	snop;
	(pc) =	sbr.rel @p2 .LBB2_1-.Ltmp1, $3  }
0xb5: {  	_ =	sdelay $0x1  }
0xb6: {  	[sflag:s11] =	ssyncset.done $0x0  }
0xb7: {  	[sflag:s11] =	ssyncadd.s32 $0xFFFFD800  }
0xb8: {  	_ =	sfence.sel $0x180000  }
0xb9: {  	[bflag:$0x0] =	sbarrier.arrive $0xFFFF  }
0xba: {  	_ =	strace $0x9000004A  }
0xbb: {  	[bflag:$0x2] =	sbarrier.arrive $0xFFFF  }
0xbc: {  	s0 =	rddreg [dreg:$0x3]  }
0xbd: {  	s0 =	sadd.s32 @!p0 $0x100000, s0  }
0xbe: {  	[sflag:s0] =	ssyncadd.tile.s32 @!p0 $0x1;
	_ =	shalt  }
.Lfunc_end2:
_tile_overlayer_lowered:
.L_overlay_start_2:
0xbf: {  	(tag) =	ssettag $0x2  }
0xc0: {  	s0 =	rddreg [dreg:$0x0];
	s2 =	stileid.u32  }
0xc1: {  	s1 =	rddreg [dreg:$0x1];
	p0 =	sne.s32 s2, $0x0  }
0xc2: {  	s3 =	rddreg [dreg:$0x2];
	[bflag:$0x3] =	sbarrier.arrive $0xFFFF;
	s2 =	simm.s32 @!p0 $0x1C05  }
0xc3: {  	[timem:s3], [sflag:s2] =	dma.local @!p0 [hbm:s0], s1  }
0xc4: {  	s0 =	simm.s32 @!p0 $0x5  }
0xc5: {  	_ =	swait.ge @!p0 [sflag:s0], s1  }
0xc6: {  	s1 =	ssub.s32 @!p0 $0x0, s1;
	[sflag:s0] =	ssyncset.done @!p0 $0x0  }
0xc7: {  	[sflag:s0] =	ssyncadd.s32 @!p0 s1  }
0xc8: {  	[bflag:$0x3] =	sbarrier.arrive $0xFFFF  }
0xc9: {  	_ =	shalt  }

// kernel: kernel.7.cloned.1.call-start
scs
__scs_entry_jumppad:
0x0: {  	(pc) =	sbr.rel $0x88, $3  }
0x1: {  	(tag) =	ssettag $0x0;
	lr =	simm.s32 $0x1  }
0x2: {  	[smem:$0x3F8B] =	sst lr;
	_ =	strace $0xD0000000  }
0x3: {  	_ = 	snop  }
0x4: {  	_ = 	snop  }
0x5: {  	_ = 	snop  }
0x6: {  	_ = 	snop  }
0x7: {  	_ = 	snop  }
__scs_overlays_trampoline_lowered:
0x8: {  	[smem:$0x3F9A] =	sst s0  }
0x9: {  	[smem:$0x3F9B] =	sst s1  }
0xa: {  	[smem:$0x3F9C] =	sst s2  }
0xb: {  	[smem:$0x3F9D] =	sst s3  }
0xc: {  	[smem:$0x3F9E] =	sst s4  }
0xd: {  	[smem:$0x3F9F] =	sst s5  }
0xe: {  	[smem:$0x3FA0] =	sst s6  }
0xf: {  	[smem:$0x3FA1] =	sst s7  }
0x10: {  	[smem:$0x3FA2] =	sst s8  }
0x11: {  	[smem:$0x3FA3] =	sst s9;
	s0 =	simm.s32 @!p0 $0x0  }
0x12: {  	s1 =	sld [smem:$0x3F89];
	s0 =	simm.s32 @p0 $0x1  }
0x13: {  	[smem:$0x3FA4] =	sst s0;
	s0 =	simm.s32 @!p1 $0x0  }
0x14: {  	s2 =	sld [smem:$0x3F88];
	s0 =	simm.s32 @p1 $0x1  }
0x15: {  	[smem:$0x3FA5] =	sst s0;
	s0 =	simm.s32 @!p2 $0x0  }
0x16: {  	s3 =	sld [smem:$0x3FDB];
	s0 =	simm.s32 @p2 $0x1  }
0x17: {  	s4 =	simm.s32 $0x1BF5;
	[smem:$0x3FA7] =	sst s0  }
0x18: {  	s0 =	sld [smem:$0x3F8A];
	_ =	swait.ge [sflag:s4], $0x0  }
0x19: {  	s7 =	sld [smem:$0x3F8B]  }
0x1a: {  	s8 =	sadd.s32 $0xFFFFE003, lr  }
0x1b: {  	s9 =	sadd.s32 $0xFFFFFEF7, lr;
	s5 =	simm.s32 $0xFFFFFFFF;
	p2 =	slt.u32 s8, $0xFFFFF086  }
0x1c: {  	p1 =	slt.u32 s9, $0xF7A;
	s5 =	simm.s32 @!p2 $0x0  }
0x1d: {  	s5 =	simm.s32 @p1 $0x1;
	p0 =	seq.s32 s7, s2  }
0x1e: {  	s7 =	smul.u32 @!p0 $0xF7A, s2;
	p2 =	seq.s32 @!p0 s5, $0x0  }
0x1f: {  	s9 =	smul.u32 $0xF7A, s1;
	s8 =	simm.s32 @!p0 $0x1BF5;
	p2 =	por !p2, p0  }
0x20: {  	[sflag:s8] =	ssyncset.s32 @!p0 $0xFFFFF086;
	s6 =	sadd.s32 @!p0 s3, s7;
	s7 =	simm.s32 @!p0 $0x108  }
0x21: {  	s3 =	sadd.s32 s3, s9;
	s6 =	sadd.s32 @!p0 $0x88, s6;
	s7 =	simm.s32 @p2 $0x1082  }
0x22: {  	[simem:s7], [sflag:s8] =	dma.local @!p0 [hbm:s6], $0xF7A  }
0x23: {  	s9 =	sor.u32 $0xD0000000, s2;
	s6 =	simm.s32 $0x108;
	_ =	swait.ge @!p0 [sflag:s8], $0x0  }
0x24: {  	s3 =	sadd.s32 $0x88, s3;
	s6 =	simm.s32 @!p1 $0x1082;
	[sflag:s4] =	ssyncset.s32 $0xFFFFF086  }
0x25: {  	[simem:s6], [sflag:s4] =	dma.local [hbm:s3], $0xF7A  }
0x26: {  	[smem:$0x3F8B] =	sst s1;
	(tag) =	ssettag s2;
	_ =	strace s9  }
0x27: {  	s1 =	sld [smem:$0x3F9B]  }
0x28: {  	s2 =	sld [smem:$0x3F9C]  }
0x29: {  	s4 =	sld [smem:$0x3F9E]  }
0x2a: {  	p0 =	seq.s32 s5, $0x0;
	s5 =	sld [smem:$0x3F9F]  }
0x2b: {  	s6 =	sld [smem:$0x3FA0]  }
0x2c: {  	s7 =	sld [smem:$0x3FA1]  }
0x2d: {  	s3 =	simm.s32 $0x108;
	s8 =	sld [smem:$0x3FA2]  }
0x2e: {  	s3 =	simm.s32 @!p0 $0x1082;
	s9 =	sld [smem:$0x3FA3]  }
0x2f: {  	lr =	sadd.s32 s0, s3;
	s0 =	sld [smem:$0x3F9A]  }
0x30: {  	s3 =	sld [smem:$0x3F9D]  }
0x31: {  	[smem:$0x3FA6] =	sst s10  }
0x32: {  	s10 =	sld [smem:$0x3FA4];
	_ =	sdelay $0x3  }
0x33: {  	p0 =	seq.s32 s10, $0x1;
	s10 =	sld [smem:$0x3FA6];
	_ =	sdelay $0x3  }
0x34: {  	[smem:$0x3FA6] =	sst s10  }
0x35: {  	s10 =	sld [smem:$0x3FA5];
	_ =	sdelay $0x3  }
0x36: {  	p1 =	seq.s32 s10, $0x1;
	s10 =	sld [smem:$0x3FA6];
	_ =	sdelay $0x3  }
0x37: {  	[smem:$0x3FA6] =	sst s10  }
0x38: {  	s10 =	sld [smem:$0x3FA7]  }
0x39: {  	_ = 	snop;
	(pc) =	sbr.ind lr, $3  }
0x3a: {  	_ = 	snop  }
0x3b: {  	_ = 	snop  }
0x3c: {  	p2 =	seq.s32 s10, $0x1;
	s10 =	sld [smem:$0x3FA6]  }
0x3d: {  	_ =	shalt  }
0x3e: {  	_ =	shalt  }
0x3f: {  	_ =	shalt  }
0x40: {  	_ =	shalt  }
0x41: {  	_ =	shalt  }
0x42: {  	_ =	shalt  }
0x43: {  	_ =	shalt  }
0x44: {  	_ =	shalt  }
0x45: {  	_ =	shalt  }
0x46: {  	_ =	shalt  }
0x47: {  	_ =	shalt  }
0x48: {  	_ =	shalt  }
0x49: {  	_ =	shalt  }
0x4a: {  	_ =	shalt  }
0x4b: {  	_ =	shalt  }
0x4c: {  	_ =	shalt  }
0x4d: {  	_ =	shalt  }
0x4e: {  	_ =	shalt  }
0x4f: {  	_ =	shalt  }
0x50: {  	_ =	shalt  }
0x51: {  	_ =	shalt  }
0x52: {  	_ =	shalt  }
0x53: {  	_ =	shalt  }
0x54: {  	_ =	shalt  }
0x55: {  	_ =	shalt  }
0x56: {  	_ =	shalt  }
0x57: {  	_ =	shalt  }
0x58: {  	_ =	shalt  }
0x59: {  	_ =	shalt  }
0x5a: {  	_ =	shalt  }
0x5b: {  	_ =	shalt  }
0x5c: {  	_ =	shalt  }
0x5d: {  	_ =	shalt  }
0x5e: {  	_ =	shalt  }
0x5f: {  	_ =	shalt  }
0x60: {  	_ =	shalt  }
0x61: {  	_ =	shalt  }
0x62: {  	_ =	shalt  }
0x63: {  	_ =	shalt  }
0x64: {  	_ =	shalt  }
0x65: {  	_ =	shalt  }
0x66: {  	_ =	shalt  }
0x67: {  	_ =	shalt  }
0x68: {  	_ =	shalt  }
0x69: {  	_ =	shalt  }
0x6a: {  	_ =	shalt  }
0x6b: {  	_ =	shalt  }
0x6c: {  	_ =	shalt  }
0x6d: {  	_ =	shalt  }
0x6e: {  	_ =	shalt  }
0x6f: {  	_ =	shalt  }
0x70: {  	_ =	shalt  }
0x71: {  	_ =	shalt  }
0x72: {  	_ =	shalt  }
0x73: {  	_ =	shalt  }
0x74: {  	_ =	shalt  }
0x75: {  	_ =	shalt  }
0x76: {  	_ =	shalt  }
0x77: {  	_ =	shalt  }
0x78: {  	_ =	shalt  }
0x79: {  	_ =	shalt  }
0x7a: {  	_ =	shalt  }
0x7b: {  	_ =	shalt  }
0x7c: {  	_ =	shalt  }
0x7d: {  	_ =	shalt  }
0x7e: {  	_ =	shalt  }
0x7f: {  	_ =	shalt  }
0x80: {  	_ =	shalt  }
0x81: {  	_ =	shalt  }
0x82: {  	_ =	shalt  }
0x83: {  	_ =	shalt  }
0x84: {  	_ =	shalt  }
0x85: {  	_ =	shalt  }
0x86: {  	_ =	shalt  }
0x87: {  	_ =	shalt  }
.Lfunc_end0:
.L_simem_size_0:
called_computation_lowered:
.L_overlay_start_0:
0x88: {  	s2 =	sld [smem:$0x3FD9]  }
0x89: {  	s3 =	sld [smem:$0x3FFE];
	_ =	sdelay $0x1  }
0x8a: {  	s1 =	srdreg.scid  }
0x8b: {  	s0 =	sand.u32 $0x1, s1  }
0x8c: {  	s17 =	sshll.u32 s0, $0xA;
	s2 =	sadd.s32 s3, s2  }
0x8d: {  	s2 =	sadd.s32 s2, s17  }
0x8e: {  	[smem:$0x3FB2] =	sst s2  }
0x8f: {  	_ = 	snop  }
0x90: {  	s2 =	sld [smem:$0x3FD0];
	(tm) =	ssettm $0x1  }
0x91: {  	s18 =	sld [smem:$0x3FFB];
	_ =	sdelay $0x3  }
0x92: {  	_ =	strace s18  }
0x93: {  	s3 =	sld [smem:$0x3FFC];
	_ =	sdelay $0x3  }
0x94: {  	_ =	strace s3  }
0x95: {  	s3 =	sld [smem:$0x3FFD];
	_ =	sdelay $0x3  }
0x96: {  	_ =	strace s3  }
0x97: {  	_ =	strace $0x8FFFFFFF  }
0x98: {  	s19 =	sld [smem:$0x3FDB];
	_ =	sdelay $0x1  }
0x99: {  	s4 =	simm.s32 $_scs_section_size  }
0x9a: {  	s5 =	simm.s32 $_size__tile_overlayer_lowered;
	s6 =	simm.s32 $_tile_overlayer_lowered  }
0x9b: {  	s22 =	simm.s32 $0x1BFF;
	s21 =	sshll.u32 s6, $0x1;
	s3 =	sadd.s32 s4, s19  }
0x9c: {  	s7 =	simm.s32 $0x0;
	s20 =	sshll.u32 s5, $0x1;
	s5 =	sadd.s32 s21, s3  }
0x9d: {  	[timem:s7], [sflag:s22] =	dma.local [hbm:s5], s20  }
0x9e: {  	_ =	swait.ge [sflag:s22], s20  }
0x9f: {  	s4 =	ssub.s32 $0x0, s20;
	[sflag:s22] =	ssyncset.done $0x0  }
0xa0: {  	[sflag:s22] =	ssyncadd.s32 s4;
	_ =	sdelay $0x1  }
0xa1: {  	s23 =	simm.s32 $0x1B8B  }
0xa2: {  	_ =	swait.ge [sflag:s23], $0x1  }
0xa3: {  	[sflag:s23] =	ssyncset.done $0x0  }
0xa4: {  	s25 =	simm.s32 $0x1B8E;
	s24 =	sld [smem:$0x3FFE];
	[sflag:s23] =	ssyncadd.s32 $0xFFFFFFFF  }
0xa5: {  	s26 =	simm.s32 $execute0_lowered;
	[smem:$0x3FD2] =	sst s25  }
0xa6: {  	s5 =	sshll.u32 s26, $0x1;
	_ =	strace $0x80000046;
	[dreg:$0x1] =	wrdreg $0xFFFFFFFF  }
0xa7: {  	s28 =	simm.s32 $_size_execute0_lowered;
	s3 =	sadd.s32 s3, s5;
	[dreg:$0x0] =	wrdreg $0x0  }
0xa8: {  	s5 =	sshll.u32 s28, $0x1;
	[dreg:$0x2] =	wrdreg s3  }
0xa9: {  	[dreg:$0x3] =	wrdreg s5  }
0xaa: {  	[dreg:$0x4] =	wrdreg $0xC0  }
0xab: {  	_ =	task [dreg:s7], $0x5FFFF  }
0xac: {  	[dreg:$0x1] =	wrdreg $0xFFFFFFFF  }
0xad: {  	[dreg:$0x0] =	wrdreg $0x60  }
0xae: {  	[dreg:$0x2] =	wrdreg s2  }
0xaf: {  	[dreg:$0x3] =	wrdreg s24  }
0xb0: {  	[dreg:$0x4] =	wrdreg $0x90000  }
0xb1: {  	[dreg:$0x5] =	wrdreg $0x9  }
0xb2: {  	_ =	task.clear_ibuf [dreg:s7], $0x6FFFF;
	_ =	strace $0x90000046  }
0xb3: {  	s29 =	simm.s32 $0x9;
	_ =	strace $0x80000048  }
0xb4: {  	_ =	swait.ge [sflag:s29], $0x1  }
0xb5: {  	[sflag:s29] =	ssyncadd.s32 $0xFFFFFFFF  }
0xb6: {  	_ =	strace $0x90000048  }
0xb7: {  	_ =	sfence  }
0xb8: {  	s30 =	sld [smem:$0x0];
	_ =	sdelay $0x2  }
0xb9: {  	s31 =	sshll.u32 s1, $0xD;
	s1 =	sshrl.u32 s1, $0x2  }
0xba: {  	s3 =	sand.u32 $0x4000, s31;
	s1 =	sadd.s32 s1, s30  }
0xbb: {  	s0 =	sor.u32 s3, s0;
	s1 =	sshll.u32 s1, $0x11  }
0xbc: {  	s0 =	sor.u32 s1, s0  }
0xbd: {  	s0 =	sadd.s32 $0x8F2B, s0  }
0xbe: {  	[sflag:s0] =	ssyncadd.remote.s32 $0x1  }
0xbf: {  	_ =	sfence.sel $0xFFFF  }
0xc0: {  	[dreg:$0x0] =	wrdreg $0xFFFFFFFF;
	(pc) =	sbr.abs _section_cstart, $3  }
0xc1: {  	[dreg:$0x1] =	wrdreg $0xFFFFFFFF  }
0xc2: {  	_ =	task.clear_ibuf [dreg:s7], $0x2FFFF;
	_ =	strace $0x9FFFFFFF  }
0xc3: {  	(tm) =	ssettm $0x7FFFFFFF  }
tec
execute0_lowered:
.L_overlay_start_1:
0x0: {  	(tag) =	ssettag $0x1  }
0x1: {  	s1 =	rddreg [dreg:$0x0]  }
0x2: {  	s0 =	rddreg [dreg:$0x1]  }
0x3: {  	s2 =	rddreg [dreg:$0x2]  }
0x4: {  	s3 =	simm.s32 $0x0;
	s5 =	srdreg.scid;
	s12 =	stileid.u32  }
0x5: {  	s13 =	simm.s32 $0x80;
	s14 =	simm.s32 $0x1000;
	s15 =	simm.s32 $0x5000  }
0x6: {  	s16 =	simm.s32 $0x1;
	s17 =	simm.s32 $0x2;
	s19 =	simm.s32 $0x3  }
0x7: {  	s18 =	simm.s32 $0xC80;
	s20 =	simm.s32 $0x500;
	s28 =	simm.s32 $0x600  }
0x8: {  	s29 =	simm.s32 $0x680;
	s30 =	simm.s32 $0xE00;
	s31 =	simm.s32 $0xE80  }
0x9: {  	[smem:$0x7FF] =	sst s3;
	s4 =	sadd.s32 $0x3A00, s0;
	s9 =	smul.u32 $0x130, s12  }
0xa: {  	s6 =	sadd.s32 $0x2BA00, s0;
	s5 =	sand.u32 $0x1, s5;
	s11 =	smul.u32 $0x50000, s12  }
0xb: {  	s10 =	sshll.u32 s12, $0x4;
	s24 =	smul.u32 $0x2800, s12;
	_ =	strace $0x80000047  }
0xc: {  	[dreg:$0x4] =	wrdreg s6;
	s21 =	smul.u32 $0x28000, s5;
	s7 =	ssub.s32 $0x2, s5  }
0xd: {  	p0 =	seq.s32 s5, $0x0;
	s10 =	sor.u32 $0x1300, s10;
	p1 =	sne.s32 s5, $0x0  }
0xe: {  	s5 =	simm.s32 $0xF00;
	s8 =	sshrl.u32 s7, $0x1;
	s10 =	smov.u32 @p0 s9  }
0xf: {  	s23 =	sshrl.u32 s11, $0x2;
	p0 =	sne.s32 s12, $0x0;
	s11 =	simm.s32 $0x5  }
0x10: {  	s12 =	simm.s32 $0x800;
	s6 =	sadd.s32 s21, s0;
	s8 =	ssub.s32 s7, s8  }
0x11: {  	s7 =	sadd.s32 $0x17A00, s0;
	s25 =	sshll.u32 s10, $0x4;
	s21 =	simm.s32 $0x4  }
0x12: {  	s22 =	sadd.s32 $0x53A00, s6;
	s6 =	sadd.s32 s23, s2;
	s8 =	smax.u32 s8, $0x1  }
0x13: {  	[dreg:$0x6] =	wrdreg s25;
	s25 =	simm.s32 $0xC00;
	s23 =	simm.s32 $0xF80  }
0x14: {  	[dreg:$0x5] =	wrdreg s8;
	s8 =	sshrl.u32 @!p0 s2, $0x3;
	s0 =	sadd.s32 s24, s22  }
0x15: {  	s26 =	sshrl.u32 s6, $0x3;
	s22 =	simm.s32 $0x580;
	[dreg:$0x7] =	wrdreg s8  }
0x16: {  	s24 =	simm.s32 $0xD00;
	s6 =	simm.s32 $0x780;
	[dreg:$0x8] =	wrdreg s0  }
0x17: {  	[dreg:$0x9] =	wrdreg s26;
	s0 =	simm.s32 $0x0;
	s26 =	simm.s32 $0xD80  }
.LBB2_1:
0x18: {  	[dreg:$0xa] =	wrdreg s0  }
0x19: {  	s9 =	rddreg [dreg:$0x4]  }
0x1a: {  	s8 =	simm.s32 @!p0 $0x1C05;
	s10 =	rddreg [dreg:$0x7]  }
0x1b: {  	[spmem:s10], [sflag:s8] =	dma.local @!p0 [hbm:s9], $0x28000  }
0x1c: {  	s8 =	simm.s32 @!p0 $0x5  }
0x1d: {  	_ =	swait.ge @!p0 [sflag:s8], $0x28000  }
0x1e: {  	[sflag:s8] =	ssyncset.done @!p0 $0x0  }
0x1f: {  	[sflag:s8] =	ssyncadd.s32 @!p0 $0xFFFD8000  }
0x20: {  	[bflag:$0x0] =	sbarrier.arrive $0xFFFF  }
0x21: {  	s0 =	simm.s32 $0x700;
	s10 =	simm.s32 $0x0;
	s8 =	rddreg [dreg:$0x6]  }
.LBB2_2:
0x22: {  	s9 =	sadd.s32 s8, s4  }
0x23: {  	[tilespmem:s3], [sflag:$0x5] =	stream.linear.gather [hbm4b:s9+s3], $0x800, $0x38;
	[tilespmem:$0x1D000] =	vst v63  }
0x24: {  	_ =	swait.ge [sflag:s11], $0x800  }
0x25: {  	[sflag:s11] =	ssyncset.done $0x0  }
0x26: {  	s9 =	sadd.s32 s8, s7;
	[sflag:s11] =	ssyncadd.s32 $0xFFFFF800  }
0x27: {  	[tilespmem:s12], [sflag:$0x5] =	stream.linear.gather [hbm4b:s9+s3], $0x800, $0x38;
	[tilespmem:$0x1D000] =	vst v63  }
0x28: {  	_ =	swait.ge [sflag:s11], $0x800  }
0x29: {  	[sflag:s11] =	ssyncset.done $0x0  }
0x2a: {  	[sflag:s11] =	ssyncadd.s32 $0xFFFFF800  }
0x2b: {  	[tilespmem:s14], [sflag:$0x1] =	stream.indirect.gather [hbm4b:s1+s13], $0x80, s3, s13, $0xb8;
	[tilespmem:$0x1D000] =	vst v63  }
0x2c: {  	_ = 	snop  }
0x2d: {  	[tilespmem:s15], [sflag:$0x2] =	stream.indirect.gather [hbm4b:s1+s13], $0x80, s13, s13, $0xb8;
	[tilespmem:$0x1D000] =	vst v63  }
0x2e: {  	_ =	swait.ge [sflag:s16], $0x4000  }
0x2f: {  	[sflag:s16] =	ssyncset.done $0x0  }
0x30: {  	[sflag:s16] =	ssyncadd.s32 $0xFFFFC000  }
0x31: {  	[spmem:s2] =	stream.indirect.scatter.add.f32 [tilespmem:s14], [sflag:$0x3], $0x80, s12, s13, $0xb8;
	[tilespmem:$0x1D000] =	vst v63  }
0x32: {  	_ =	swait.ge [sflag:s17], $0x4000  }
0x33: {  	[sflag:s17] =	ssyncset.done $0x0  }
0x34: {  	s9 =	simm.s32 $0x880;
	[sflag:s17] =	ssyncadd.s32 $0xFFFFC000  }
0x35: {  	[spmem:s2] =	stream.indirect.scatter.add.f32 [tilespmem:s15], [sflag:$0x4], $0x80, s9, s13, $0xb8;
	[tilespmem:$0x1D000] =	vst v63  }
0x36: {  	_ =	swait.ge [sflag:s19], $0x4000  }
0x37: {  	[sflag:s19] =	ssyncset.done $0x0  }
0x38: {  	s9 =	simm.s32 $0x100;
	[sflag:s19] =	ssyncadd.s32 $0xFFFFC000  }
0x39: {  	[tilespmem:s14], [sflag:$0x1] =	stream.indirect.gather [hbm4b:s1+s13], $0x80, s9, s13, $0xb8;
	[tilespmem:$0x1D000] =	vst v63  }
0x3a: {  	_ =	swait.ge [sflag:s21], $0x4000  }
0x3b: {  	[sflag:s21] =	ssyncset.done $0x0  }
0x3c: {  	s9 =	simm.s32 $0x180;
	[sflag:s21] =	ssyncadd.s32 $0xFFFFC000  }
0x3d: {  	[tilespmem:s15], [sflag:$0x2] =	stream.indirect.gather [hbm4b:s1+s13], $0x80, s9, s13, $0xb8;
	[tilespmem:$0x1D000] =	vst v63  }
0x3e: {  	_ =	swait.ge [sflag:s16], $0x4000  }
0x3f: {  	[sflag:s16] =	ssyncset.done $0x0  }
0x40: {  	s9 =	simm.s32 $0x900;
	[sflag:s16] =	ssyncadd.s32 $0xFFFFC000  }
0x41: {  	[spmem:s2] =	stream.indirect.scatter.add.f32 [tilespmem:s14], [sflag:$0x3], $0x80, s9, s13, $0xb8;
	[tilespmem:$0x1D000] =	vst v63  }
0x42: {  	_ =	swait.ge [sflag:s17], $0x4000  }
0x43: {  	[sflag:s17] =	ssyncset.done $0x0  }
0x44: {  	s9 =	simm.s32 $0x980;
	[sflag:s17] =	ssyncadd.s32 $0xFFFFC000  }
0x45: {  	[spmem:s2] =	stream.indirect.scatter.add.f32 [tilespmem:s15], [sflag:$0x4], $0x80, s9, s13, $0xb8;
	[tilespmem:$0x1D000] =	vst v63  }
0x46: {  	_ =	swait.ge [sflag:s19], $0x4000  }
0x47: {  	[sflag:s19] =	ssyncset.done $0x0  }
0x48: {  	s9 =	simm.s32 $0x200;
	[sflag:s19] =	ssyncadd.s32 $0xFFFFC000  }
0x49: {  	[tilespmem:s14], [sflag:$0x1] =	stream.indirect.gather [hbm4b:s1+s13], $0x80, s9, s13, $0xb8;
	[tilespmem:$0x1D000] =	vst v63  }
0x4a: {  	_ =	swait.ge [sflag:s21], $0x4000  }
0x4b: {  	[sflag:s21] =	ssyncset.done $0x0  }
0x4c: {  	s9 =	simm.s32 $0x280;
	[sflag:s21] =	ssyncadd.s32 $0xFFFFC000  }
0x4d: {  	[tilespmem:s15], [sflag:$0x2] =	stream.indirect.gather [hbm4b:s1+s13], $0x80, s9, s13, $0xb8;
	[tilespmem:$0x1D000] =	vst v63  }
0x4e: {  	_ =	swait.ge [sflag:s16], $0x4000  }
0x4f: {  	[sflag:s16] =	ssyncset.done $0x0  }
0x50: {  	s9 =	simm.s32 $0xA00;
	[sflag:s16] =	ssyncadd.s32 $0xFFFFC000  }
0x51: {  	[spmem:s2] =	stream.indirect.scatter.add.f32 [tilespmem:s14], [sflag:$0x3], $0x80, s9, s13, $0xb8;
	[tilespmem:$0x1D000] =	vst v63  }
0x52: {  	_ =	swait.ge [sflag:s17], $0x4000  }
0x53: {  	[sflag:s17] =	ssyncset.done $0x0  }
0x54: {  	s9 =	simm.s32 $0xA80;
	[sflag:s17] =	ssyncadd.s32 $0xFFFFC000  }
0x55: {  	[spmem:s2] =	stream.indirect.scatter.add.f32 [tilespmem:s15], [sflag:$0x4], $0x80, s9, s13, $0xb8;
	[tilespmem:$0x1D000] =	vst v63  }
0x56: {  	_ =	swait.ge [sflag:s19], $0x4000  }
0x57: {  	[sflag:s19] =	ssyncset.done $0x0  }
0x58: {  	s9 =	simm.s32 $0x300;
	[sflag:s19] =	ssyncadd.s32 $0xFFFFC000  }
0x59: {  	[tilespmem:s14], [sflag:$0x1] =	stream.indirect.gather [hbm4b:s1+s13], $0x80, s9, s13, $0xb8;
	[tilespmem:$0x1D000] =	vst v63  }
0x5a: {  	_ =	swait.ge [sflag:s21], $0x4000  }
0x5b: {  	[sflag:s21] =	ssyncset.done $0x0  }
0x5c: {  	s9 =	simm.s32 $0x380;
	[sflag:s21] =	ssyncadd.s32 $0xFFFFC000  }
0x5d: {  	[tilespmem:s15], [sflag:$0x2] =	stream.indirect.gather [hbm4b:s1+s13], $0x80, s9, s13, $0xb8;
	[tilespmem:$0x1D000] =	vst v63  }
0x5e: {  	_ =	swait.ge [sflag:s16], $0x4000  }
0x5f: {  	[sflag:s16] =	ssyncset.done $0x0  }
0x60: {  	s9 =	simm.s32 $0xB00;
	[sflag:s16] =	ssyncadd.s32 $0xFFFFC000  }
0x61: {  	[spmem:s2] =	stream.indirect.scatter.add.f32 [tilespmem:s14], [sflag:$0x3], $0x80, s9, s13, $0xb8;
	[tilespmem:$0x1D000] =	vst v63  }
0x62: {  	_ =	swait.ge [sflag:s17], $0x4000  }
0x63: {  	[sflag:s17] =	ssyncset.done $0x0  }
0x64: {  	s9 =	simm.s32 $0xB80;
	[sflag:s17] =	ssyncadd.s32 $0xFFFFC000  }
0x65: {  	[spmem:s2] =	stream.indirect.scatter.add.f32 [tilespmem:s15], [sflag:$0x4], $0x80, s9, s13, $0xb8;
	[tilespmem:$0x1D000] =	vst v63  }
0x66: {  	_ =	swait.ge [sflag:s19], $0x4000  }
0x67: {  	[sflag:s19] =	ssyncset.done $0x0  }
0x68: {  	s9 =	simm.s32 $0x400;
	[sflag:s19] =	ssyncadd.s32 $0xFFFFC000  }
0x69: {  	[tilespmem:s14], [sflag:$0x1] =	stream.indirect.gather [hbm4b:s1+s13], $0x80, s9, s13, $0xb8;
	[tilespmem:$0x1D000] =	vst v63  }
0x6a: {  	_ =	swait.ge [sflag:s21], $0x4000  }
0x6b: {  	[sflag:s21] =	ssyncset.done $0x0  }
0x6c: {  	s9 =	simm.s32 $0x480;
	[sflag:s21] =	ssyncadd.s32 $0xFFFFC000  }
0x6d: {  	[tilespmem:s15], [sflag:$0x2] =	stream.indirect.gather [hbm4b:s1+s13], $0x80, s9, s13, $0xb8;
	[tilespmem:$0x1D000] =	vst v63  }
0x6e: {  	_ =	swait.ge [sflag:s16], $0x4000  }
0x6f: {  	[sflag:s16] =	ssyncset.done $0x0  }
0x70: {  	[sflag:s16] =	ssyncadd.s32 $0xFFFFC000  }
0x71: {  	[spmem:s2] =	stream.indirect.scatter.add.f32 [tilespmem:s14], [sflag:$0x3], $0x80, s25, s13, $0xb8;
	[tilespmem:$0x1D000] =	vst v63  }
0x72: {  	_ =	swait.ge [sflag:s17], $0x4000  }
0x73: {  	[sflag:s17] =	ssyncset.done $0x0  }
0x74: {  	[sflag:s17] =	ssyncadd.s32 $0xFFFFC000  }
0x75: {  	[spmem:s2] =	stream.indirect.scatter.add.f32 [tilespmem:s15], [sflag:$0x4], $0x80, s18, s13, $0xb8;
	[tilespmem:$0x1D000] =	vst v63  }
0x76: {  	_ =	swait.ge [sflag:s19], $0x4000  }
0x77: {  	[sflag:s19] =	ssyncset.done $0x0  }
0x78: {  	[sflag:s19] =	ssyncadd.s32 $0xFFFFC000  }
0x79: {  	[tilespmem:s14], [sflag:$0x1] =	stream.indirect.gather [hbm4b:s1+s13], $0x80, s20, s13, $0xb8;
	[tilespmem:$0x1D000] =	vst v63  }
0x7a: {  	_ =	swait.ge [sflag:s21], $0x4000  }
0x7b: {  	[sflag:s21] =	ssyncset.done $0x0  }
0x7c: {  	[sflag:s21] =	ssyncadd.s32 $0xFFFFC000  }
0x7d: {  	[tilespmem:s15], [sflag:$0x2] =	stream.indirect.gather [hbm4b:s1+s13], $0x80, s22, s13, $0xb8;
	[tilespmem:$0x1D000] =	vst v63  }
0x7e: {  	_ =	swait.ge [sflag:s16], $0x4000  }
0x7f: {  	[sflag:s16] =	ssyncset.done $0x0  }
0x80: {  	[sflag:s16] =	ssyncadd.s32 $0xFFFFC000  }
0x81: {  	[spmem:s2] =	stream.indirect.scatter.add.f32 [tilespmem:s14], [sflag:$0x3], $0x80, s24, s13, $0xb8;
	[tilespmem:$0x1D000] =	vst v63  }
0x82: {  	_ =	swait.ge [sflag:s17], $0x4000  }
0x83: {  	[sflag:s17] =	ssyncset.done $0x0  }
0x84: {  	[sflag:s17] =	ssyncadd.s32 $0xFFFFC000  }
0x85: {  	[spmem:s2] =	stream.indirect.scatter.add.f32 [tilespmem:s15], [sflag:$0x4], $0x80, s26, s13, $0xb8;
	[tilespmem:$0x1D000] =	vst v63  }
0x86: {  	_ =	swait.ge [sflag:s19], $0x4000  }
0x87: {  	[sflag:s19] =	ssyncset.done $0x0  }
0x88: {  	[sflag:s19] =	ssyncadd.s32 $0xFFFFC000  }
0x89: {  	[tilespmem:s14], [sflag:$0x1] =	stream.indirect.gather [hbm4b:s1+s13], $0x80, s28, s13, $0xb8;
	[tilespmem:$0x1D000] =	vst v63  }
0x8a: {  	_ =	swait.ge [sflag:s21], $0x4000  }
0x8b: {  	[sflag:s21] =	ssyncset.done $0x0  }
0x8c: {  	[sflag:s21] =	ssyncadd.s32 $0xFFFFC000  }
0x8d: {  	[tilespmem:s15], [sflag:$0x2] =	stream.indirect.gather [hbm4b:s1+s13], $0x80, s29, s13, $0xb8;
	[tilespmem:$0x1D000] =	vst v63  }
0x8e: {  	_ =	swait.ge [sflag:s16], $0x4000  }
0x8f: {  	[sflag:s16] =	ssyncset.done $0x0  }
0x90: {  	[sflag:s16] =	ssyncadd.s32 $0xFFFFC000  }
0x91: {  	[spmem:s2] =	stream.indirect.scatter.add.f32 [tilespmem:s14], [sflag:$0x3], $0x80, s30, s13, $0xb8;
	[tilespmem:$0x1D000] =	vst v63  }
0x92: {  	_ =	swait.ge [sflag:s17], $0x4000  }
0x93: {  	[sflag:s17] =	ssyncset.done $0x0  }
0x94: {  	[sflag:s17] =	ssyncadd.s32 $0xFFFFC000  }
0x95: {  	[spmem:s2] =	stream.indirect.scatter.add.f32 [tilespmem:s15], [sflag:$0x4], $0x80, s31, s13, $0xb8;
	[tilespmem:$0x1D000] =	vst v63  }
0x96: {  	_ =	swait.ge [sflag:s19], $0x4000  }
0x97: {  	[sflag:s19] =	ssyncset.done $0x0  }
0x98: {  	[sflag:s19] =	ssyncadd.s32 $0xFFFFC000  }
0x99: {  	[tilespmem:s14], [sflag:$0x1] =	stream.indirect.gather [hbm4b:s1+s13], $0x80, s0, s13, $0xb8;
	[tilespmem:$0x1D000] =	vst v63  }
0x9a: {  	_ =	swait.ge [sflag:s21], $0x4000  }
0x9b: {  	[sflag:s21] =	ssyncset.done $0x0  }
0x9c: {  	[sflag:s21] =	ssyncadd.s32 $0xFFFFC000  }
0x9d: {  	[tilespmem:s15], [sflag:$0x2] =	stream.indirect.gather [hbm4b:s1+s13], $0x80, s6, s13, $0xb8;
	[tilespmem:$0x1D000] =	vst v63  }
0x9e: {  	_ =	swait.ge [sflag:s16], $0x4000  }
0x9f: {  	[sflag:s16] =	ssyncset.done $0x0  }
0xa0: {  	[sflag:s16] =	ssyncadd.s32 $0xFFFFC000  }
0xa1: {  	[spmem:s2] =	stream.indirect.scatter.add.f32 [tilespmem:s14], [sflag:$0x3], $0x80, s5, s13, $0xb8;
	[tilespmem:$0x1D000] =	vst v63  }
0xa2: {  	_ =	swait.ge [sflag:s17], $0x4000  }
0xa3: {  	[sflag:s17] =	ssyncset.done $0x0  }
0xa4: {  	p2 =	slt.u32 @!p1 s10, $0x12;
	[sflag:s17] =	ssyncadd.s32 $0xFFFFC000  }
0xa5: {  	[spmem:s2] =	stream.indirect.scatter.add.f32 [tilespmem:s15], [sflag:$0x4], $0x80, s23, s13, $0xb8;
	[tilespmem:$0x1D000] =	vst v63  }
0xa6: {  	p2 =	por p1, !p2;
	_ =	swait.ge [sflag:s19], $0x4000  }
.Ltmp0:
0xa7: {  	[sflag:s19] =	ssyncset.done $0x0;
	(pc) =	sbr.rel @!p2 .LBB2_2-.Ltmp0, $4  }
0xa8: {  	[sflag:s19] =	ssyncadd.s32 $0xFFFFC000  }
0xa9: {  	_ =	swait.ge [sflag:s21], $0x4000  }
0xaa: {  	[sflag:s21] =	ssyncset.done $0x0  }
0xab: {  	s10 =	sadd.s32 $0x1, s10;
	s8 =	sadd.s32 $0x100, s8;
	[sflag:s21] =	ssyncadd.s32 $0xFFFFC000  }
0xac: {  	s8 =	stileid.u32;
	[bflag:$0x0] =	sbarrier.arrive $0xFFFF  }
0xad: {  	s8 =	sshll.u32 s8, $0x6;
	s9 =	rddreg [dreg:$0x8]  }
0xae: {  	s10 =	rddreg [dreg:$0x9];
	s8 =	sor.u32 $0x1C05, s8  }
0xaf: {  	[hbm:s9], [sflag:s8] =	dma.local [spmem:s10], $0x2800  }
0xb0: {  	_ =	swait.ge [sflag:s11], $0x2800  }
0xb1: {  	s0 =	rddreg [dreg:$0xa]  }
0xb2: {  	s10 =	rddreg [dreg:$0x5];
	s0 =	sadd.s32 $0x1, s0  }
0xb3: {  	p2 =	sne.s32 s0, s10  }
.Ltmp1:
0xb4: {  	_ = 	snop;
	(pc) =	sbr.rel @p2 .LBB2_1-.Ltmp1, $3  }
0xb5: {  	_ =	sdelay $0x1  }
0xb6: {  	[sflag:s11] =	ssyncset.done $0x0  }
0xb7: {  	[sflag:s11] =	ssyncadd.s32 $0xFFFFD800  }
0xb8: {  	_ =	sfence.sel $0x180000  }
0xb9: {  	[bflag:$0x0] =	sbarrier.arrive $0xFFFF  }
0xba: {  	_ =	strace $0x90000047  }
0xbb: {  	[bflag:$0x2] =	sbarrier.arrive $0xFFFF  }
0xbc: {  	s0 =	rddreg [dreg:$0x3]  }
0xbd: {  	s0 =	sadd.s32 @!p0 $0x100000, s0  }
0xbe: {  	[sflag:s0] =	ssyncadd.tile.s32 @!p0 $0x1;
	_ =	shalt  }
.Lfunc_end2:
_tile_overlayer_lowered:
.L_overlay_start_2:
0xbf: {  	(tag) =	ssettag $0x2  }
0xc0: {  	s0 =	rddreg [dreg:$0x0];
	s2 =	stileid.u32  }
0xc1: {  	s1 =	rddreg [dreg:$0x1];
	p0 =	sne.s32 s2, $0x0  }
0xc2: {  	s3 =	rddreg [dreg:$0x2];
	[bflag:$0x3] =	sbarrier.arrive $0xFFFF;
	s2 =	simm.s32 @!p0 $0x1C05  }
0xc3: {  	[timem:s3], [sflag:s2] =	dma.local @!p0 [hbm:s0], s1  }
0xc4: {  	s0 =	simm.s32 @!p0 $0x5  }
0xc5: {  	_ =	swait.ge @!p0 [sflag:s0], s1  }
0xc6: {  	s1 =	ssub.s32 @!p0 $0x0, s1;
	[sflag:s0] =	ssyncset.done @!p0 $0x0  }
0xc7: {  	[sflag:s0] =	ssyncadd.s32 @!p0 s1  }
0xc8: {  	[bflag:$0x3] =	sbarrier.arrive $0xFFFF  }
0xc9: {  	_ =	shalt  }

</sc_bundles>
